<compile_context>
chip_gen: v7x
topology: tpu7x:2x2x1
jax: 0.10.2.dev20260603
libtpu: 0.0.44.dev20260713+nightly
codegen_flags: <defaults>
</compile_context>

<pallas_src>
import functools

import jax
import jax.numpy as jnp
from jax import lax
from jax.experimental import pallas as pl
from jax.experimental.pallas import tpu as pltpu
from jax.experimental.pallas import tpu_sc as plsc

N = 10000
F = 128
FH = F // 2
E = 320000
CHUNK = 128
DCH = 256
N_TILES = 16
N_CHUNKS = 2560
E_PAD = N_CHUNKS * CHUNK
SCH = 320
N_OPS = E_PAD // SCH
OPT = N_OPS // N_TILES
N_GRP = 8
OPG = OPT // N_GRP
NBUF = 2
TRASH = N
N_ACC = 10240
N_H = 10240
H_STRIPE = N_H // N_TILES
O_STRIPE = N_ACC // N_TILES

_mesh = plsc.VectorSubcoreMesh(core_axis_name="c", subcore_axis_name="s")


@jax.jit
def _deg(idx4, ones_v):
    CPT = E_PAD // DCH // N_TILES

    @functools.partial(
        pl.kernel,
        mesh=_mesh,
        out_type=jax.ShapeDtypeStruct((4, N_H), jnp.float32),
        compiler_params=pltpu.CompilerParams(use_tc_tiling_on_sc=False),
        scratch_types=[
            pltpu.VMEM((CPT, DCH), jnp.int32),
            pltpu.VMEM((DCH,), jnp.float32),
            pltpu.VMEM((H_STRIPE,), jnp.float32),
            pltpu.VMEM_SHARED((N_H,), jnp.float32),
            pltpu.VMEM_SHARED((N_H,), jnp.float32),
            pltpu.SemaphoreType.DMA,
        ],
    )
    def k(idx_hbm, ones_hbm, deg_hbm, idx_v, ones_vm, zb, hist0, hist1, dsem):
        c = lax.axis_index("c")
        s = lax.axis_index("s")
        pltpu.sync_copy(ones_hbm, ones_vm)
        @pl.loop(0, H_STRIPE, step=16)
        def _(i):
            zb[pl.ds(i, 16)] = jnp.zeros((16,), jnp.float32)

        for kk, hist in ((0, hist0), (1, hist1)):
            pltpu.sync_copy(zb, hist.at[pl.ds(s * H_STRIPE, H_STRIPE)])
        plsc.subcore_barrier()
        for kk, hist in ((0, hist0), (1, hist1)):
            pltpu.sync_copy(idx_hbm.at[2 * c + kk].at[pl.ds(s * CPT, CPT)], idx_v)

            @pl.loop(0, CPT, step=8)
            def _(j):
                for b in range(8):
                    pltpu.async_copy(ones_vm, hist.at[idx_v.at[j + b]],
                                     dsem, add=True)
                for b in range(8):
                    pltpu.make_async_copy(ones_vm, hist.at[idx_v.at[j]],
                                          dsem).wait()

        plsc.subcore_barrier()
        for kk, hist in ((0, hist0), (1, hist1)):
            pltpu.sync_copy(hist.at[pl.ds(s * H_STRIPE, H_STRIPE)],
                            deg_hbm.at[2 * c + kk].at[pl.ds(s * H_STRIPE, H_STRIPE)])

    return k(idx4, ones_v)


@jax.jit
def _spmv(tables, srcg, dstg):

    @functools.partial(
        pl.kernel,
        mesh=_mesh,
        out_type=jax.ShapeDtypeStruct((2, 2, N_ACC, FH), jnp.float32),
        compiler_params=pltpu.CompilerParams(use_tc_tiling_on_sc=False),
        scratch_types=[
            pltpu.VMEM((OPG, SCH), jnp.int32),
            pltpu.VMEM((OPG, SCH), jnp.int32),
            pltpu.VMEM((SCH, FH), jnp.float32),
            pltpu.VMEM((SCH, FH), jnp.float32),
            pltpu.VMEM((16, FH), jnp.float32),
            pltpu.VMEM_SHARED((N_ACC, FH), jnp.float32),
            pltpu.VMEM_SHARED((N, FH), jnp.float32),
            pltpu.SemaphoreType.DMA,
            pltpu.SemaphoreType.DMA,
            pltpu.SemaphoreType.DMA,
            pltpu.SemaphoreType.DMA,
        ],
    )
    def k(t_hbm, src_hbm, dst_hbm, out_hbm, src_v, dst_v,
          b0, b1, zb, acc, tbl,
          g0, g1, s0, s1):
        c = lax.axis_index("c")
        s = lax.axis_index("s")
        bufs = (b0, b1)
        gsem = (g0, g1)
        ssem = (s0, s1)

        @pl.loop(0, 16)
        def _(r):
            for col in range(FH // 16):
                zb[r, pl.ds(col * 16, 16)] = jnp.zeros((16,), jnp.float32)

        zbase = s * O_STRIPE

        for rel in range(2):
            out = out_hbm.at[rel].at[c]

            pltpu.sync_copy(t_hbm.at[rel].at[c].at[pl.ds(s * 625, 625)],
                            tbl.at[pl.ds(s * 625, 625)])

            @pl.loop(0, O_STRIPE, step=16)
            def _(z):
                pltpu.sync_copy(zb, acc.at[pl.ds(zbase + z, 16)])

            plsc.subcore_barrier()
            table = tbl

            @pl.loop(0, N_GRP)
            def _(grp):
                obase = s * OPT + grp * OPG
                pltpu.sync_copy(src_hbm.at[rel].at[pl.ds(obase, OPG)], src_v)
                pltpu.sync_copy(dst_hbm.at[rel].at[pl.ds(obase, OPG)], dst_v)
                for b in range(NBUF):
                    pltpu.async_copy(table.at[src_v.at[b]], bufs[b], gsem[b])

                @pl.loop(0, OPG, step=NBUF)
                def _(mb):
                    for b in range(NBUF):
                        m = mb + b
                        pltpu.make_async_copy(table.at[src_v.at[m]],
                                              bufs[b], gsem[b]).wait()
                        pltpu.async_copy(bufs[b], acc.at[dst_v.at[m]],
                                         ssem[b], add=True)
                    for b in range(NBUF):
                        m4 = mb + b + NBUF
                        pltpu.make_async_copy(bufs[b],
                                              acc.at[dst_v.at[mb + b]],
                                              ssem[b]).wait()

                        @pl.when(m4 < OPG)
                        def _():
                            pltpu.async_copy(table.at[src_v.at[m4]],
                                             bufs[b], gsem[b])

            plsc.subcore_barrier()
            pltpu.sync_copy(acc.at[pl.ds(s * O_STRIPE, O_STRIPE)],
                            out.at[pl.ds(s * O_STRIPE, O_STRIPE)])
            plsc.subcore_barrier()

    return k(tables, srcg, dstg)


def _norms(deg_ref):
    nrm = lax.rsqrt(jnp.maximum(deg_ref[...], 1.0))
    return (nrm[:, 0:1], nrm[:, 1:2], nrm[:, 2:3], nrm[:, 3:4])


BR = 2000


def _halves(a_ref, r):
    return jnp.concatenate([a_ref[r, 0], a_ref[r, 1]], axis=1)


@jax.jit
def _tc_pre(x, deg_t):

    def body(x_ref, d_ref, o_ref):
        nss, _, nsu, _ = _norms(d_ref)
        xv = x_ref[...]
        xs_s = xv * nss
        xs_u = xv * nsu
        o_ref[0, 0] = xs_s[:, :FH]
        o_ref[0, 1] = xs_s[:, FH:]
        o_ref[1, 0] = xs_u[:, :FH]
        o_ref[1, 1] = xs_u[:, FH:]

    return pl.pallas_call(
        body,
        grid=(N // BR,),
        in_specs=[pl.BlockSpec((BR, F), lambda i: (i, 0)),
                  pl.BlockSpec((BR, 4), lambda i: (i, 0))],
        out_specs=pl.BlockSpec((2, 2, BR, FH), lambda i: (0, 0, i, 0)),
        out_shape=jax.ShapeDtypeStruct((2, 2, N, FH), jnp.float32),
    )(x, deg_t)


@jax.jit
def _tc_mid(agg, deg_t, W1s, W1u, b1):

    def body(a_ref, d_ref, ws_ref, wu_ref, b_ref, o_ref):
        nss, nds, nsu, ndu = _norms(d_ref)
        h = jnp.dot(_halves(a_ref, 0) * nds, ws_ref[...],
                    preferred_element_type=jnp.float32)
        h += jnp.dot(_halves(a_ref, 1) * ndu, wu_ref[...],
                     preferred_element_type=jnp.float32)
        h = jnp.maximum(h + b_ref[...], 0.0)
        hs_s = h * nss
        hs_u = h * nsu
        o_ref[0, 0] = hs_s[:, :FH]
        o_ref[0, 1] = hs_s[:, FH:]
        o_ref[1, 0] = hs_u[:, :FH]
        o_ref[1, 1] = hs_u[:, FH:]

    return pl.pallas_call(
        body,
        grid=(N // BR,),
        in_specs=[pl.BlockSpec((2, 2, BR, FH), lambda i: (0, 0, i, 0)),
                  pl.BlockSpec((BR, 4), lambda i: (i, 0)),
                  pl.BlockSpec((F, F), lambda i: (0, 0)),
                  pl.BlockSpec((F, F), lambda i: (0, 0)),
                  pl.BlockSpec((1, F), lambda i: (0, 0))],
        out_specs=pl.BlockSpec((2, 2, BR, FH), lambda i: (0, 0, i, 0)),
        out_shape=jax.ShapeDtypeStruct((2, 2, N, FH), jnp.float32),
    )(agg, deg_t, W1s, W1u, b1.reshape(1, F))


@jax.jit
def _tc_out(agg, deg_t, W2s, W2u, b2):
    def body(a_ref, d_ref, ws_ref, wu_ref, b_ref, o_ref):
        _, nds, _, ndu = _norms(d_ref)
        o = jnp.dot(_halves(a_ref, 0) * nds, ws_ref[...],
                    preferred_element_type=jnp.float32)
        o += jnp.dot(_halves(a_ref, 1) * ndu, wu_ref[...],
                     preferred_element_type=jnp.float32)
        o_ref[...] = o + b_ref[...]

    return pl.pallas_call(
        body,
        grid=(N // BR,),
        in_specs=[pl.BlockSpec((2, 2, BR, FH), lambda i: (0, 0, i, 0)),
                  pl.BlockSpec((BR, 4), lambda i: (i, 0)),
                  pl.BlockSpec((F, F), lambda i: (0, 0)),
                  pl.BlockSpec((F, F), lambda i: (0, 0)),
                  pl.BlockSpec((1, F), lambda i: (0, 0))],
        out_specs=pl.BlockSpec((BR, F), lambda i: (i, 0)),
        out_shape=jax.ShapeDtypeStruct((N, F), jnp.float32),
    )(agg, deg_t, W2s, W2u, b2.reshape(1, F))


def kernel(x, edge_index_side, edge_index_upd,
           W1_side, b1_side, W1_upd, b1_upd,
           W2_side, b2_side, W2_upd, b2_upd):
    src_s = edge_index_side[0].astype(jnp.int32)
    dst_s = edge_index_side[1].astype(jnp.int32)
    src_u = edge_index_upd[0].astype(jnp.int32)
    dst_u = edge_index_upd[1].astype(jnp.int32)

    def pad2(a, fill):
        return jnp.concatenate(
            [a, jnp.full((E_PAD - E,), fill, jnp.int32)]).reshape(N_CHUNKS, CHUNK)

    def pad4(a, fill):
        return jnp.concatenate(
            [a, jnp.full((E_PAD - E,), fill, jnp.int32)]).reshape(N_OPS, SCH)

    def padd(a, fill):
        return jnp.concatenate(
            [a, jnp.full((E_PAD - E,), fill, jnp.int32)]).reshape(E_PAD // DCH, DCH)

    idx4 = jnp.stack([padd(src_s, TRASH), padd(dst_s, TRASH),
                      padd(src_u, TRASH), padd(dst_u, TRASH)])
    srcg = jnp.stack([pad4(src_s, 0), pad4(src_u, 0)])
    dstg = jnp.stack([pad4(dst_s, TRASH), pad4(dst_u, TRASH)])

    degs = _deg(idx4, jnp.ones((DCH,), jnp.float32))
    deg_t = degs.T[:N]

    xs = _tc_pre(x, deg_t)
    agg1 = _spmv(xs, srcg, dstg)[:, :, :N]
    hs = _tc_mid(agg1, deg_t, W1_side, W1_upd, b1_side + b1_upd)
    agg2 = _spmv(hs, srcg, dstg)[:, :, :N]
    return _tc_out(agg2, deg_t, W2_side, W2_upd, b2_side + b2_upd)

# --- scband reference (transcript-rebuilt; emitter-appended) ---
"""Pipeline reference for scband-view2-9345848836755 (READ-ONLY COPY).

The authoritative reference and input builder live on the scoring server;
editing this copy changes nothing except your own understanding.
"""

import jax, jax.numpy as jnp
import numpy as np

N_NODES = 10000
N_EDGES = 320000
IN_FEATS = 128
HID_FEATS = 128
OUT_FEATS = 128


def _graph_conv(x, src, dst, W, b):
    # DGL GraphConv with norm='both':
    #   y = D_dst^{-1/2} * A @ (D_src^{-1/2} * x) @ W + b
    n = x.shape[0]
    deg_out = jnp.zeros((n,), x.dtype).at[src].add(1.0)
    deg_in = jnp.zeros((n,), x.dtype).at[dst].add(1.0)
    norm_src = jax.lax.rsqrt(jnp.clip(deg_out, 1.0, None))
    norm_dst = jax.lax.rsqrt(jnp.clip(deg_in, 1.0, None))
    h = x * norm_src[:, None]
    msg = jnp.take(h, src, axis=0)
    agg = jnp.zeros((n, x.shape[1]), x.dtype).at[dst].add(msg)
    agg = agg * norm_dst[:, None]
    return agg @ W + b


def setup_inputs(seed: int = 0):
    key = jax.random.key(seed)
    ks = jax.random.split(key, 12)
    x = jax.random.normal(ks[0], (N_NODES, IN_FEATS), dtype=jnp.float32)
    edge_index_side = jax.random.randint(ks[1], (2, N_EDGES), 0, N_NODES, dtype=jnp.int64 if jax.config.jax_enable_x64 else jnp.int32)
    edge_index_upd = jax.random.randint(ks[2], (2, N_EDGES), 0, N_NODES, dtype=jnp.int64 if jax.config.jax_enable_x64 else jnp.int32)
    s1 = 1.0 / np.sqrt(IN_FEATS)
    s2 = 1.0 / np.sqrt(HID_FEATS)
    W1_side = jax.random.normal(ks[3], (IN_FEATS, HID_FEATS), dtype=jnp.float32) * s1
    b1_side = jnp.zeros((HID_FEATS,), dtype=jnp.float32)
    W1_upd = jax.random.normal(ks[4], (IN_FEATS, HID_FEATS), dtype=jnp.float32) * s1
    b1_upd = jnp.zeros((HID_FEATS,), dtype=jnp.float32)
    W2_side = jax.random.normal(ks[5], (HID_FEATS, OUT_FEATS), dtype=jnp.float32) * s2
    b2_side = jnp.zeros((OUT_FEATS,), dtype=jnp.float32)
    W2_upd = jax.random.normal(ks[6], (HID_FEATS, OUT_FEATS), dtype=jnp.float32) * s2
    b2_upd = jnp.zeros((OUT_FEATS,), dtype=jnp.float32)
    return {
        'x': x,
        'edge_index_side': edge_index_side,
        'edge_index_upd': edge_index_upd,
        'W1_side': W1_side, 'b1_side': b1_side,
        'W1_upd': W1_upd, 'b1_upd': b1_upd,
        'W2_side': W2_side, 'b2_side': b2_side,
        'W2_upd': W2_upd, 'b2_upd': b2_upd,
    }


def reference(x, edge_index_side, edge_index_upd,
              W1_side, b1_side, W1_upd, b1_upd,
              W2_side, b2_side, W2_upd, b2_upd):
    src_s, dst_s = edge_index_side[0], edge_index_side[1]
    src_u, dst_u = edge_index_upd[0], edge_index_upd[1]
    # conv1: HeteroGraphConv sum over relations
    h = _graph_conv(x, src_s, dst_s, W1_side, b1_side) + \
        _graph_conv(x, src_u, dst_u, W1_upd, b1_upd)
    h = jax.nn.relu(h)
    # conv2
    out = _graph_conv(h, src_s, dst_s, W2_side, b2_side) + \
          _graph_conv(h, src_u, dst_u, W2_upd, b2_upd)
    return out

if __name__ == "__main__":
    import jax
    _d = setup_inputs()
    print(jax.jit(kernel)(*tuple(_d.values())))

</pallas_src>

<mosaic_0001>
#map = affine_map<(d0, d1) -> (0, 0, 0)>
#map1 = affine_map<(d0, d1) -> (0)>
#map2 = affine_map<(d0, d1) -> (0, 0)>
module attributes {stable_mosaic.version = 14 : i64} {
  func.func @k(%arg0: i32, %arg1: i32, %arg2: memref<4x1280x256xi32, #tpu.memory_space<hbm>>, %arg3: memref<256xf32, #tpu.memory_space<hbm>>, %arg4: memref<4x10240xf32, #tpu.memory_space<hbm>>, %arg5: memref<80x256xi32, #tpu.memory_space<vmem>>, %arg6: memref<256xf32, #tpu.memory_space<vmem>>, %arg7: memref<640xf32, #tpu.memory_space<vmem>>, %arg8: memref<10240xf32, #tpu.memory_space<vmem_shared>>, %arg9: memref<10240xf32, #tpu.memory_space<vmem_shared>>, %arg10: memref<!tpu.dma_semaphore, #tpu.memory_space<semaphore_mem>>) attributes {dimension_semantics = [#tpu.dimension_semantics<core_parallel>, #tpu.dimension_semantics<subcore_parallel>], iteration_bounds = array<i64: 2, 16>, scalar_prefetch = 0 : i64, scratch_operands = 6 : i64, tpu.core_type = #tpu.core_type<sc_vector_subcore>, window_params = [{transform_indices = #map}, {transform_indices = #map1}, {transform_indices = #map2}]} {
    "tpu.region"() ({
      %run_scoped3A = tpu.sem_alloc : memref<!tpu.dma_semaphore, #tpu.memory_space<semaphore_mem>>
      tpu.enqueue_dma source(%arg3 : memref<256xf32, #tpu.memory_space<hbm>>) target(%arg6 : memref<256xf32, #tpu.memory_space<vmem>>) target_semaphore(%run_scoped3A : memref<!tpu.dma_semaphore, #tpu.memory_space<semaphore_mem>>)
      tpu.wait_dma2 semaphore(%run_scoped3A : memref<!tpu.dma_semaphore, #tpu.memory_space<semaphore_mem>>) src(%arg3 : memref<256xf32, #tpu.memory_space<hbm>>) dst(%arg6 : memref<256xf32, #tpu.memory_space<vmem>>)
      tpu.yield
    }) : () -> ()
    %scan3A = arith.constant 0 : i32
    %scan3A_0 = arith.constant 40 : i32
    %scan3A_1 = arith.addi %scan3A, %scan3A_0 : i32
    %scan3A_2 = arith.constant 1 : i32
    scf.for %scan3A_45 = %scan3A to %scan3A_1 step %scan3A_2  : i32 {
      %mul3A_46 = arith.constant 16 : i32
      %mul3A_47 = arith.muli %scan3A_45, %mul3A_46 : i32
      %add3A_48 = arith.constant 0 : i32
      %add3A_49 = arith.addi %add3A_48, %mul3A_47 : i32
      %broadcast_in_dim3A = arith.constant 0.000000e+00 : f32
      %broadcast_in_dim3A_50 = vector.broadcast %broadcast_in_dim3A : f32 to vector<16xf32>
      %swap3A = arith.index_cast %add3A_49 : i32 to index
      %swap3A_51 = tpu.vector_load %arg7[%swap3A] {strides = array<i32>} : memref<640xf32, #tpu.memory_space<vmem>>, vector<16xf32>,
      %swap3A_52 = vector.shape_cast %swap3A_51 : vector<16xf32> to vector<16xf32>
      %swap3A_53 = vector.shape_cast %broadcast_in_dim3A_50 : vector<16xf32> to vector<16xf32>
      tpu.vector_store %arg7[%swap3A], %swap3A_53 {strides = array<i32>} : memref<640xf32, #tpu.memory_space<vmem>>, vector<16xf32>,
    }
    %scan3A_3 = arith.constant 40 : i32
    %mul3A = arith.constant 640 : i32
    %mul3A_4 = arith.muli %arg1, %mul3A : i32
    "tpu.region"() ({
      %run_scoped3A = tpu.sem_alloc : memref<!tpu.dma_semaphore, #tpu.memory_space<semaphore_mem>>
      %dma_start3A = tpu.memref_slice %arg8[%mul3A_4] : memref<10240xf32, #tpu.memory_space<vmem_shared>> -> memref<640xf32, #tpu.memory_space<vmem_shared>>
      %dma_start3A_45 = tpu.memref_slice %arg8[%mul3A_4] : memref<10240xf32, #tpu.memory_space<vmem_shared>> -> memref<640xf32, #tpu.memory_space<vmem_shared>>
      tpu.enqueue_dma source(%arg7 : memref<640xf32, #tpu.memory_space<vmem>>) target(%dma_start3A_45 : memref<640xf32, #tpu.memory_space<vmem_shared>>) target_semaphore(%run_scoped3A : memref<!tpu.dma_semaphore, #tpu.memory_space<semaphore_mem>>)
      %dma_wait3A = tpu.memref_slice %arg8[%mul3A_4] : memref<10240xf32, #tpu.memory_space<vmem_shared>> -> memref<640xf32, #tpu.memory_space<vmem_shared>>
      %dma_wait3A_46 = tpu.memref_slice %arg8[%mul3A_4] : memref<10240xf32, #tpu.memory_space<vmem_shared>> -> memref<640xf32, #tpu.memory_space<vmem_shared>>
      tpu.wait_dma2 semaphore(%run_scoped3A : memref<!tpu.dma_semaphore, #tpu.memory_space<semaphore_mem>>) src(%arg7 : memref<640xf32, #tpu.memory_space<vmem>>) dst(%dma_wait3A_46 : memref<640xf32, #tpu.memory_space<vmem_shared>>)
      tpu.yield
    }) : () -> ()
    %mul3A_5 = arith.constant 640 : i32
    %mul3A_6 = arith.muli %arg1, %mul3A_5 : i32
    "tpu.region"() ({
      %run_scoped3A = tpu.sem_alloc : memref<!tpu.dma_semaphore, #tpu.memory_space<semaphore_mem>>
      %dma_start3A = tpu.memref_slice %arg9[%mul3A_6] : memref<10240xf32, #tpu.memory_space<vmem_shared>> -> memref<640xf32, #tpu.memory_space<vmem_shared>>
      %dma_start3A_45 = tpu.memref_slice %arg9[%mul3A_6] : memref<10240xf32, #tpu.memory_space<vmem_shared>> -> memref<640xf32, #tpu.memory_space<vmem_shared>>
      tpu.enqueue_dma source(%arg7 : memref<640xf32, #tpu.memory_space<vmem>>) target(%dma_start3A_45 : memref<640xf32, #tpu.memory_space<vmem_shared>>) target_semaphore(%run_scoped3A : memref<!tpu.dma_semaphore, #tpu.memory_space<semaphore_mem>>)
      %dma_wait3A = tpu.memref_slice %arg9[%mul3A_6] : memref<10240xf32, #tpu.memory_space<vmem_shared>> -> memref<640xf32, #tpu.memory_space<vmem_shared>>
      %dma_wait3A_46 = tpu.memref_slice %arg9[%mul3A_6] : memref<10240xf32, #tpu.memory_space<vmem_shared>> -> memref<640xf32, #tpu.memory_space<vmem_shared>>
      tpu.wait_dma2 semaphore(%run_scoped3A : memref<!tpu.dma_semaphore, #tpu.memory_space<semaphore_mem>>) src(%arg7 : memref<640xf32, #tpu.memory_space<vmem>>) dst(%dma_wait3A_46 : memref<640xf32, #tpu.memory_space<vmem_shared>>)
      tpu.yield
    }) : () -> ()
    %barrier3A = arith.constant 0 : index
    tpu.barrier barrier_id(%barrier3A)
    %mul3A_7 = arith.constant 2 : i32
    %mul3A_8 = arith.muli %mul3A_7, %arg0 : i32
    %add3A = arith.constant 0 : i32
    %add3A_9 = arith.addi %mul3A_8, %add3A : i32
    %mul3A_10 = arith.constant 80 : i32
    %mul3A_11 = arith.muli %arg1, %mul3A_10 : i32
    "tpu.region"() ({
      %run_scoped3A = tpu.sem_alloc : memref<!tpu.dma_semaphore, #tpu.memory_space<semaphore_mem>>
      %dma_start3A = arith.constant 0 : i32
      %dma_start3A_45 = arith.constant 0 : i32
      %dma_start3A_46 = tpu.memref_slice %arg2[%add3A_9, %dma_start3A, %dma_start3A_45] : memref<4x1280x256xi32, #tpu.memory_space<hbm>> -> memref<1x1280x256xi32, #tpu.memory_space<hbm>>
      %dma_start3A_47 = tpu.memref_squeeze %dma_start3A_46 : memref<1x1280x256xi32, #tpu.memory_space<hbm>> -> memref<1280x256xi32, #tpu.memory_space<hbm>>
      %dma_start3A_48 = arith.constant 0 : i32
      %dma_start3A_49 = tpu.memref_slice %dma_start3A_47[%mul3A_11, %dma_start3A_48] : memref<1280x256xi32, #tpu.memory_space<hbm>> -> memref<80x256xi32, #tpu.memory_space<hbm>>
      %dma_start3A_50 = arith.constant 0 : i32
      %dma_start3A_51 = arith.constant 0 : i32
      %dma_start3A_52 = tpu.memref_slice %arg2[%add3A_9, %dma_start3A_50, %dma_start3A_51] : memref<4x1280x256xi32, #tpu.memory_space<hbm>> -> memref<1x1280x256xi32, #tpu.memory_space<hbm>>
      %dma_start3A_53 = tpu.memref_squeeze %dma_start3A_52 : memref<1x1280x256xi32, #tpu.memory_space<hbm>> -> memref<1280x256xi32, #tpu.memory_space<hbm>>
      %dma_start3A_54 = arith.constant 0 : i32
      %dma_start3A_55 = tpu.memref_slice %dma_start3A_53[%mul3A_11, %dma_start3A_54] : memref<1280x256xi32, #tpu.memory_space<hbm>> -> memref<80x256xi32, #tpu.memory_space<hbm>>
      tpu.enqueue_dma source(%dma_start3A_55 : memref<80x256xi32, #tpu.memory_space<hbm>>) target(%arg5 : memref<80x256xi32, #tpu.memory_space<vmem>>) target_semaphore(%run_scoped3A : memref<!tpu.dma_semaphore, #tpu.memory_space<semaphore_mem>>)
      %dma_wait3A = arith.constant 0 : i32
      %dma_wait3A_56 = arith.constant 0 : i32
      %dma_wait3A_57 = tpu.memref_slice %arg2[%add3A_9, %dma_wait3A, %dma_wait3A_56] : memref<4x1280x256xi32, #tpu.memory_space<hbm>> -> memref<1x1280x256xi32, #tpu.memory_space<hbm>>
      %dma_wait3A_58 = tpu.memref_squeeze %dma_wait3A_57 : memref<1x1280x256xi32, #tpu.memory_space<hbm>> -> memref<1280x256xi32, #tpu.memory_space<hbm>>
      %dma_wait3A_59 = arith.constant 0 : i32
      %dma_wait3A_60 = tpu.memref_slice %dma_wait3A_58[%mul3A_11, %dma_wait3A_59] : memref<1280x256xi32, #tpu.memory_space<hbm>> -> memref<80x256xi32, #tpu.memory_space<hbm>>
      %dma_wait3A_61 = arith.constant 0 : i32
      %dma_wait3A_62 = arith.constant 0 : i32
      %dma_wait3A_63 = tpu.memref_slice %arg2[%add3A_9, %dma_wait3A_61, %dma_wait3A_62] : memref<4x1280x256xi32, #tpu.memory_space<hbm>> -> memref<1x1280x256xi32, #tpu.memory_space<hbm>>
      %dma_wait3A_64 = tpu.memref_squeeze %dma_wait3A_63 : memref<1x1280x256xi32, #tpu.memory_space<hbm>> -> memref<1280x256xi32, #tpu.memory_space<hbm>>
      %dma_wait3A_65 = arith.constant 0 : i32
      %dma_wait3A_66 = tpu.memref_slice %dma_wait3A_64[%mul3A_11, %dma_wait3A_65] : memref<1280x256xi32, #tpu.memory_space<hbm>> -> memref<80x256xi32, #tpu.memory_space<hbm>>
      tpu.wait_dma2 semaphore(%run_scoped3A : memref<!tpu.dma_semaphore, #tpu.memory_space<semaphore_mem>>) src(%dma_wait3A_66 : memref<80x256xi32, #tpu.memory_space<hbm>>) dst(%arg5 : memref<80x256xi32, #tpu.memory_space<vmem>>)
      tpu.yield
    }) : () -> ()
    %scan3A_12 = arith.constant 0 : i32
    %scan3A_13 = arith.constant 10 : i32
    %scan3A_14 = arith.addi %scan3A_12, %scan3A_13 : i32
    %scan3A_15 = arith.constant 1 : i32
    scf.for %scan3A_45 = %scan3A_12 to %scan3A_14 step %scan3A_15  : i32 {
      %mul3A_46 = arith.constant 8 : i32
      %mul3A_47 = arith.muli %scan3A_45, %mul3A_46 : i32
      %add3A_48 = arith.constant 0 : i32
      %add3A_49 = arith.addi %add3A_48, %mul3A_47 : i32
      %add3A_50 = arith.constant 0 : i32
      %add3A_51 = arith.addi %add3A_49, %add3A_50 : i32
      %dma_start3A = arith.constant 0 : i32
      %dma_start3A_52 = tpu.memref_slice %arg5[%add3A_51, %dma_start3A] : memref<80x256xi32, #tpu.memory_space<vmem>> -> memref<1x256xi32, #tpu.memory_space<vmem>>
      %dma_start3A_53 = tpu.memref_squeeze %dma_start3A_52 : memref<1x256xi32, #tpu.memory_space<vmem>> -> memref<256xi32, #tpu.memory_space<vmem>>
      %dma_start3A_54 = arith.constant 0 : i32
      %dma_start3A_55 = tpu.memref_slice %arg8[%dma_start3A_54] : memref<10240xf32, #tpu.memory_space<vmem_shared>> -> memref<10240xf32, #tpu.memory_space<vmem_shared>>
      tpu.enqueue_indirect_dma source(%arg6 : memref<256xf32, #tpu.memory_space<vmem>>) target(%dma_start3A_55 : memref<10240xf32, #tpu.memory_space<vmem_shared>>) offsets(%dma_start3A_53 : memref<256xi32, #tpu.memory_space<vmem>>) semaphore(%arg10 : memref<!tpu.dma_semaphore, #tpu.memory_space<semaphore_mem>>) {add = true}
      %add3A_56 = arith.constant 1 : i32
      %add3A_57 = arith.addi %add3A_49, %add3A_56 : i32
      %dma_start3A_58 = arith.constant 0 : i32
      %dma_start3A_59 = tpu.memref_slice %arg5[%add3A_57, %dma_start3A_58] : memref<80x256xi32, #tpu.memory_space<vmem>> -> memref<1x256xi32, #tpu.memory_space<vmem>>
      %dma_start3A_60 = tpu.memref_squeeze %dma_start3A_59 : memref<1x256xi32, #tpu.memory_space<vmem>> -> memref<256xi32, #tpu.memory_space<vmem>>
      %dma_start3A_61 = arith.constant 0 : i32
      %dma_start3A_62 = tpu.memref_slice %arg8[%dma_start3A_61] : memref<10240xf32, #tpu.memory_space<vmem_shared>> -> memref<10240xf32, #tpu.memory_space<vmem_shared>>
      tpu.enqueue_indirect_dma source(%arg6 : memref<256xf32, #tpu.memory_space<vmem>>) target(%dma_start3A_62 : memref<10240xf32, #tpu.memory_space<vmem_shared>>) offsets(%dma_start3A_60 : memref<256xi32, #tpu.memory_space<vmem>>) semaphore(%arg10 : memref<!tpu.dma_semaphore, #tpu.memory_space<semaphore_mem>>) {add = true}
      %add3A_63 = arith.constant 2 : i32
      %add3A_64 = arith.addi %add3A_49, %add3A_63 : i32
      %dma_start3A_65 = arith.constant 0 : i32
      %dma_start3A_66 = tpu.memref_slice %arg5[%add3A_64, %dma_start3A_65] : memref<80x256xi32, #tpu.memory_space<vmem>> -> memref<1x256xi32, #tpu.memory_space<vmem>>
      %dma_start3A_67 = tpu.memref_squeeze %dma_start3A_66 : memref<1x256xi32, #tpu.memory_space<vmem>> -> memref<256xi32, #tpu.memory_space<vmem>>
      %dma_start3A_68 = arith.constant 0 : i32
      %dma_start3A_69 = tpu.memref_slice %arg8[%dma_start3A_68] : memref<10240xf32, #tpu.memory_space<vmem_shared>> -> memref<10240xf32, #tpu.memory_space<vmem_shared>>
      tpu.enqueue_indirect_dma source(%arg6 : memref<256xf32, #tpu.memory_space<vmem>>) target(%dma_start3A_69 : memref<10240xf32, #tpu.memory_space<vmem_shared>>) offsets(%dma_start3A_67 : memref<256xi32, #tpu.memory_space<vmem>>) semaphore(%arg10 : memref<!tpu.dma_semaphore, #tpu.memory_space<semaphore_mem>>) {add = true}
      %add3A_70 = arith.constant 3 : i32
      %add3A_71 = arith.addi %add3A_49, %add3A_70 : i32
      %dma_start3A_72 = arith.constant 0 : i32
      %dma_start3A_73 = tpu.memref_slice %arg5[%add3A_71, %dma_start3A_72] : memref<80x256xi32, #tpu.memory_space<vmem>> -> memref<1x256xi32, #tpu.memory_space<vmem>>
      %dma_start3A_74 = tpu.memref_squeeze %dma_start3A_73 : memref<1x256xi32, #tpu.memory_space<vmem>> -> memref<256xi32, #tpu.memory_space<vmem>>
      %dma_start3A_75 = arith.constant 0 : i32
      %dma_start3A_76 = tpu.memref_slice %arg8[%dma_start3A_75] : memref<10240xf32, #tpu.memory_space<vmem_shared>> -> memref<10240xf32, #tpu.memory_space<vmem_shared>>
      tpu.enqueue_indirect_dma source(%arg6 : memref<256xf32, #tpu.memory_space<vmem>>) target(%dma_start3A_76 : memref<10240xf32, #tpu.memory_space<vmem_shared>>) offsets(%dma_start3A_74 : memref<256xi32, #tpu.memory_space<vmem>>) semaphore(%arg10 : memref<!tpu.dma_semaphore, #tpu.memory_space<semaphore_mem>>) {add = true}
      %add3A_77 = arith.constant 4 : i32
      %add3A_78 = arith.addi %add3A_49, %add3A_77 : i32
      %dma_start3A_79 = arith.constant 0 : i32
      %dma_start3A_80 = tpu.memref_slice %arg5[%add3A_78, %dma_start3A_79] : memref<80x256xi32, #tpu.memory_space<vmem>> -> memref<1x256xi32, #tpu.memory_space<vmem>>
      %dma_start3A_81 = tpu.memref_squeeze %dma_start3A_80 : memref<1x256xi32, #tpu.memory_space<vmem>> -> memref<256xi32, #tpu.memory_space<vmem>>
      %dma_start3A_82 = arith.constant 0 : i32
      %dma_start3A_83 = tpu.memref_slice %arg8[%dma_start3A_82] : memref<10240xf32, #tpu.memory_space<vmem_shared>> -> memref<10240xf32, #tpu.memory_space<vmem_shared>>
      tpu.enqueue_indirect_dma source(%arg6 : memref<256xf32, #tpu.memory_space<vmem>>) target(%dma_start3A_83 : memref<10240xf32, #tpu.memory_space<vmem_shared>>) offsets(%dma_start3A_81 : memref<256xi32, #tpu.memory_space<vmem>>) semaphore(%arg10 : memref<!tpu.dma_semaphore, #tpu.memory_space<semaphore_mem>>) {add = true}
      %add3A_84 = arith.constant 5 : i32
      %add3A_85 = arith.addi %add3A_49, %add3A_84 : i32
      %dma_start3A_86 = arith.constant 0 : i32
      %dma_start3A_87 = tpu.memref_slice %arg5[%add3A_85, %dma_start3A_86] : memref<80x256xi32, #tpu.memory_space<vmem>> -> memref<1x256xi32, #tpu.memory_space<vmem>>
      %dma_start3A_88 = tpu.memref_squeeze %dma_start3A_87 : memref<1x256xi32, #tpu.memory_space<vmem>> -> memref<256xi32, #tpu.memory_space<vmem>>
      %dma_start3A_89 = arith.constant 0 : i32
      %dma_start3A_90 = tpu.memref_slice %arg8[%dma_start3A_89] : memref<10240xf32, #tpu.memory_space<vmem_shared>> -> memref<10240xf32, #tpu.memory_space<vmem_shared>>
      tpu.enqueue_indirect_dma source(%arg6 : memref<256xf32, #tpu.memory_space<vmem>>) target(%dma_start3A_90 : memref<10240xf32, #tpu.memory_space<vmem_shared>>) offsets(%dma_start3A_88 : memref<256xi32, #tpu.memory_space<vmem>>) semaphore(%arg10 : memref<!tpu.dma_semaphore, #tpu.memory_space<semaphore_mem>>) {add = true}
      %add3A_91 = arith.constant 6 : i32
      %add3A_92 = arith.addi %add3A_49, %add3A_91 : i32
      %dma_start3A_93 = arith.constant 0 : i32
      %dma_start3A_94 = tpu.memref_slice %arg5[%add3A_92, %dma_start3A_93] : memref<80x256xi32, #tpu.memory_space<vmem>> -> memref<1x256xi32, #tpu.memory_space<vmem>>
      %dma_start3A_95 = tpu.memref_squeeze %dma_start3A_94 : memref<1x256xi32, #tpu.memory_space<vmem>> -> memref<256xi32, #tpu.memory_space<vmem>>
      %dma_start3A_96 = arith.constant 0 : i32
      %dma_start3A_97 = tpu.memref_slice %arg8[%dma_start3A_96] : memref<10240xf32, #tpu.memory_space<vmem_shared>> -> memref<10240xf32, #tpu.memory_space<vmem_shared>>
      tpu.enqueue_indirect_dma source(%arg6 : memref<256xf32, #tpu.memory_space<vmem>>) target(%dma_start3A_97 : memref<10240xf32, #tpu.memory_space<vmem_shared>>) offsets(%dma_start3A_95 : memref<256xi32, #tpu.memory_space<vmem>>) semaphore(%arg10 : memref<!tpu.dma_semaphore, #tpu.memory_space<semaphore_mem>>) {add = true}
      %add3A_98 = arith.constant 7 : i32
      %add3A_99 = arith.addi %add3A_49, %add3A_98 : i32
      %dma_start3A_100 = arith.constant 0 : i32
      %dma_start3A_101 = tpu.memref_slice %arg5[%add3A_99, %dma_start3A_100] : memref<80x256xi32, #tpu.memory_space<vmem>> -> memref<1x256xi32, #tpu.memory_space<vmem>>
      %dma_start3A_102 = tpu.memref_squeeze %dma_start3A_101 : memref<1x256xi32, #tpu.memory_space<vmem>> -> memref<256xi32, #tpu.memory_space<vmem>>
      %dma_start3A_103 = arith.constant 0 : i32
      %dma_start3A_104 = tpu.memref_slice %arg8[%dma_start3A_103] : memref<10240xf32, #tpu.memory_space<vmem_shared>> -> memref<10240xf32, #tpu.memory_space<vmem_shared>>
      tpu.enqueue_indirect_dma source(%arg6 : memref<256xf32, #tpu.memory_space<vmem>>) target(%dma_start3A_104 : memref<10240xf32, #tpu.memory_space<vmem_shared>>) offsets(%dma_start3A_102 : memref<256xi32, #tpu.memory_space<vmem>>) semaphore(%arg10 : memref<!tpu.dma_semaphore, #tpu.memory_space<semaphore_mem>>) {add = true}
      %dma_wait3A = arith.constant 0 : i32
      %dma_wait3A_105 = tpu.memref_slice %arg5[%add3A_49, %dma_wait3A] : memref<80x256xi32, #tpu.memory_space<vmem>> -> memref<1x256xi32, #tpu.memory_space<vmem>>
      %dma_wait3A_106 = tpu.memref_squeeze %dma_wait3A_105 : memref<1x256xi32, #tpu.memory_space<vmem>> -> memref<256xi32, #tpu.memory_space<vmem>>
      %dma_wait3A_107 = arith.constant 0 : i32
      %dma_wait3A_108 = tpu.memref_slice %arg8[%dma_wait3A_107] : memref<10240xf32, #tpu.memory_space<vmem_shared>> -> memref<10240xf32, #tpu.memory_space<vmem_shared>>
      tpu.wait_indirect_dma semaphore(%arg10 : memref<!tpu.dma_semaphore, #tpu.memory_space<semaphore_mem>>) src(%arg6 : memref<256xf32, #tpu.memory_space<vmem>>) dst(%dma_wait3A_108 : memref<10240xf32, #tpu.memory_space<vmem_shared>>)
      %dma_wait3A_109 = arith.constant 0 : i32
      %dma_wait3A_110 = tpu.memref_slice %arg5[%add3A_49, %dma_wait3A_109] : memref<80x256xi32, #tpu.memory_space<vmem>> -> memref<1x256xi32, #tpu.memory_space<vmem>>
      %dma_wait3A_111 = tpu.memref_squeeze %dma_wait3A_110 : memref<1x256xi32, #tpu.memory_space<vmem>> -> memref<256xi32, #tpu.memory_space<vmem>>
      %dma_wait3A_112 = arith.constant 0 : i32
      %dma_wait3A_113 = tpu.memref_slice %arg8[%dma_wait3A_112] : memref<10240xf32, #tpu.memory_space<vmem_shared>> -> memref<10240xf32, #tpu.memory_space<vmem_shared>>
      tpu.wait_indirect_dma semaphore(%arg10 : memref<!tpu.dma_semaphore, #tpu.memory_space<semaphore_mem>>) src(%arg6 : memref<256xf32, #tpu.memory_space<vmem>>) dst(%dma_wait3A_113 : memref<10240xf32, #tpu.memory_space<vmem_shared>>)
      %dma_wait3A_114 = arith.constant 0 : i32
      %dma_wait3A_115 = tpu.memref_slice %arg5[%add3A_49, %dma_wait3A_114] : memref<80x256xi32, #tpu.memory_space<vmem>> -> memref<1x256xi32, #tpu.memory_space<vmem>>
      %dma_wait3A_116 = tpu.memref_squeeze %dma_wait3A_115 : memref<1x256xi32, #tpu.memory_space<vmem>> -> memref<256xi32, #tpu.memory_space<vmem>>
      %dma_wait3A_117 = arith.constant 0 : i32
      %dma_wait3A_118 = tpu.memref_slice %arg8[%dma_wait3A_117] : memref<10240xf32, #tpu.memory_space<vmem_shared>> -> memref<10240xf32, #tpu.memory_space<vmem_shared>>
      tpu.wait_indirect_dma semaphore(%arg10 : memref<!tpu.dma_semaphore, #tpu.memory_space<semaphore_mem>>) src(%arg6 : memref<256xf32, #tpu.memory_space<vmem>>) dst(%dma_wait3A_118 : memref<10240xf32, #tpu.memory_space<vmem_shared>>)
      %dma_wait3A_119 = arith.constant 0 : i32
      %dma_wait3A_120 = tpu.memref_slice %arg5[%add3A_49, %dma_wait3A_119] : memref<80x256xi32, #tpu.memory_space<vmem>> -> memref<1x256xi32, #tpu.memory_space<vmem>>
      %dma_wait3A_121 = tpu.memref_squeeze %dma_wait3A_120 : memref<1x256xi32, #tpu.memory_space<vmem>> -> memref<256xi32, #tpu.memory_space<vmem>>
      %dma_wait3A_122 = arith.constant 0 : i32
      %dma_wait3A_123 = tpu.memref_slice %arg8[%dma_wait3A_122] : memref<10240xf32, #tpu.memory_space<vmem_shared>> -> memref<10240xf32, #tpu.memory_space<vmem_shared>>
      tpu.wait_indirect_dma semaphore(%arg10 : memref<!tpu.dma_semaphore, #tpu.memory_space<semaphore_mem>>) src(%arg6 : memref<256xf32, #tpu.memory_space<vmem>>) dst(%dma_wait3A_123 : memref<10240xf32, #tpu.memory_space<vmem_shared>>)
      %dma_wait3A_124 = arith.constant 0 : i32
      %dma_wait3A_125 = tpu.memref_slice %arg5[%add3A_49, %dma_wait3A_124] : memref<80x256xi32, #tpu.memory_space<vmem>> -> memref<1x256xi32, #tpu.memory_space<vmem>>
      %dma_wait3A_126 = tpu.memref_squeeze %dma_wait3A_125 : memref<1x256xi32, #tpu.memory_space<vmem>> -> memref<256xi32, #tpu.memory_space<vmem>>
      %dma_wait3A_127 = arith.constant 0 : i32
      %dma_wait3A_128 = tpu.memref_slice %arg8[%dma_wait3A_127] : memref<10240xf32, #tpu.memory_space<vmem_shared>> -> memref<10240xf32, #tpu.memory_space<vmem_shared>>
      tpu.wait_indirect_dma semaphore(%arg10 : memref<!tpu.dma_semaphore, #tpu.memory_space<semaphore_mem>>) src(%arg6 : memref<256xf32, #tpu.memory_space<vmem>>) dst(%dma_wait3A_128 : memref<10240xf32, #tpu.memory_space<vmem_shared>>)
      %dma_wait3A_129 = arith.constant 0 : i32
      %dma_wait3A_130 = tpu.memref_slice %arg5[%add3A_49, %dma_wait3A_129] : memref<80x256xi32, #tpu.memory_space<vmem>> -> memref<1x256xi32, #tpu.memory_space<vmem>>
      %dma_wait3A_131 = tpu.memref_squeeze %dma_wait3A_130 : memref<1x256xi32, #tpu.memory_space<vmem>> -> memref<256xi32, #tpu.memory_space<vmem>>
      %dma_wait3A_132 = arith.constant 0 : i32
      %dma_wait3A_133 = tpu.memref_slice %arg8[%dma_wait3A_132] : memref<10240xf32, #tpu.memory_space<vmem_shared>> -> memref<10240xf32, #tpu.memory_space<vmem_shared>>
      tpu.wait_indirect_dma semaphore(%arg10 : memref<!tpu.dma_semaphore, #tpu.memory_space<semaphore_mem>>) src(%arg6 : memref<256xf32, #tpu.memory_space<vmem>>) dst(%dma_wait3A_133 : memref<10240xf32, #tpu.memory_space<vmem_shared>>)
      %dma_wait3A_134 = arith.constant 0 : i32
      %dma_wait3A_135 = tpu.memref_slice %arg5[%add3A_49, %dma_wait3A_134] : memref<80x256xi32, #tpu.memory_space<vmem>> -> memref<1x256xi32, #tpu.memory_space<vmem>>
      %dma_wait3A_136 = tpu.memref_squeeze %dma_wait3A_135 : memref<1x256xi32, #tpu.memory_space<vmem>> -> memref<256xi32, #tpu.memory_space<vmem>>
      %dma_wait3A_137 = arith.constant 0 : i32
      %dma_wait3A_138 = tpu.memref_slice %arg8[%dma_wait3A_137] : memref<10240xf32, #tpu.memory_space<vmem_shared>> -> memref<10240xf32, #tpu.memory_space<vmem_shared>>
      tpu.wait_indirect_dma semaphore(%arg10 : memref<!tpu.dma_semaphore, #tpu.memory_space<semaphore_mem>>) src(%arg6 : memref<256xf32, #tpu.memory_space<vmem>>) dst(%dma_wait3A_138 : memref<10240xf32, #tpu.memory_space<vmem_shared>>)
      %dma_wait3A_139 = arith.constant 0 : i32
      %dma_wait3A_140 = tpu.memref_slice %arg5[%add3A_49, %dma_wait3A_139] : memref<80x256xi32, #tpu.memory_space<vmem>> -> memref<1x256xi32, #tpu.memory_space<vmem>>
      %dma_wait3A_141 = tpu.memref_squeeze %dma_wait3A_140 : memref<1x256xi32, #tpu.memory_space<vmem>> -> memref<256xi32, #tpu.memory_space<vmem>>
      %dma_wait3A_142 = arith.constant 0 : i32
      %dma_wait3A_143 = tpu.memref_slice %arg8[%dma_wait3A_142] : memref<10240xf32, #tpu.memory_space<vmem_shared>> -> memref<10240xf32, #tpu.memory_space<vmem_shared>>
      tpu.wait_indirect_dma semaphore(%arg10 : memref<!tpu.dma_semaphore, #tpu.memory_space<semaphore_mem>>) src(%arg6 : memref<256xf32, #tpu.memory_space<vmem>>) dst(%dma_wait3A_143 : memref<10240xf32, #tpu.memory_space<vmem_shared>>)
    }
    %scan3A_16 = arith.constant 10 : i32
    %mul3A_17 = arith.constant 2 : i32
    %mul3A_18 = arith.muli %mul3A_17, %arg0 : i32
    %add3A_19 = arith.constant 1 : i32
    %add3A_20 = arith.addi %mul3A_18, %add3A_19 : i32
    %mul3A_21 = arith.constant 80 : i32
    %mul3A_22 = arith.muli %arg1, %mul3A_21 : i32
    "tpu.region"() ({
      %run_scoped3A = tpu.sem_alloc : memref<!tpu.dma_semaphore, #tpu.memory_space<semaphore_mem>>
      %dma_start3A = arith.constant 0 : i32
      %dma_start3A_45 = arith.constant 0 : i32
      %dma_start3A_46 = tpu.memref_slice %arg2[%add3A_20, %dma_start3A, %dma_start3A_45] : memref<4x1280x256xi32, #tpu.memory_space<hbm>> -> memref<1x1280x256xi32, #tpu.memory_space<hbm>>
      %dma_start3A_47 = tpu.memref_squeeze %dma_start3A_46 : memref<1x1280x256xi32, #tpu.memory_space<hbm>> -> memref<1280x256xi32, #tpu.memory_space<hbm>>
      %dma_start3A_48 = arith.constant 0 : i32
      %dma_start3A_49 = tpu.memref_slice %dma_start3A_47[%mul3A_22, %dma_start3A_48] : memref<1280x256xi32, #tpu.memory_space<hbm>> -> memref<80x256xi32, #tpu.memory_space<hbm>>
      %dma_start3A_50 = arith.constant 0 : i32
      %dma_start3A_51 = arith.constant 0 : i32
      %dma_start3A_52 = tpu.memref_slice %arg2[%add3A_20, %dma_start3A_50, %dma_start3A_51] : memref<4x1280x256xi32, #tpu.memory_space<hbm>> -> memref<1x1280x256xi32, #tpu.memory_space<hbm>>
      %dma_start3A_53 = tpu.memref_squeeze %dma_start3A_52 : memref<1x1280x256xi32, #tpu.memory_space<hbm>> -> memref<1280x256xi32, #tpu.memory_space<hbm>>
      %dma_start3A_54 = arith.constant 0 : i32
      %dma_start3A_55 = tpu.memref_slice %dma_start3A_53[%mul3A_22, %dma_start3A_54] : memref<1280x256xi32, #tpu.memory_space<hbm>> -> memref<80x256xi32, #tpu.memory_space<hbm>>
      tpu.enqueue_dma source(%dma_start3A_55 : memref<80x256xi32, #tpu.memory_space<hbm>>) target(%arg5 : memref<80x256xi32, #tpu.memory_space<vmem>>) target_semaphore(%run_scoped3A : memref<!tpu.dma_semaphore, #tpu.memory_space<semaphore_mem>>)
      %dma_wait3A = arith.constant 0 : i32
      %dma_wait3A_56 = arith.constant 0 : i32
      %dma_wait3A_57 = tpu.memref_slice %arg2[%add3A_20, %dma_wait3A, %dma_wait3A_56] : memref<4x1280x256xi32, #tpu.memory_space<hbm>> -> memref<1x1280x256xi32, #tpu.memory_space<hbm>>
      %dma_wait3A_58 = tpu.memref_squeeze %dma_wait3A_57 : memref<1x1280x256xi32, #tpu.memory_space<hbm>> -> memref<1280x256xi32, #tpu.memory_space<hbm>>
      %dma_wait3A_59 = arith.constant 0 : i32
      %dma_wait3A_60 = tpu.memref_slice %dma_wait3A_58[%mul3A_22, %dma_wait3A_59] : memref<1280x256xi32, #tpu.memory_space<hbm>> -> memref<80x256xi32, #tpu.memory_space<hbm>>
      %dma_wait3A_61 = arith.constant 0 : i32
      %dma_wait3A_62 = arith.constant 0 : i32
      %dma_wait3A_63 = tpu.memref_slice %arg2[%add3A_20, %dma_wait3A_61, %dma_wait3A_62] : memref<4x1280x256xi32, #tpu.memory_space<hbm>> -> memref<1x1280x256xi32, #tpu.memory_space<hbm>>
      %dma_wait3A_64 = tpu.memref_squeeze %dma_wait3A_63 : memref<1x1280x256xi32, #tpu.memory_space<hbm>> -> memref<1280x256xi32, #tpu.memory_space<hbm>>
      %dma_wait3A_65 = arith.constant 0 : i32
      %dma_wait3A_66 = tpu.memref_slice %dma_wait3A_64[%mul3A_22, %dma_wait3A_65] : memref<1280x256xi32, #tpu.memory_space<hbm>> -> memref<80x256xi32, #tpu.memory_space<hbm>>
      tpu.wait_dma2 semaphore(%run_scoped3A : memref<!tpu.dma_semaphore, #tpu.memory_space<semaphore_mem>>) src(%dma_wait3A_66 : memref<80x256xi32, #tpu.memory_space<hbm>>) dst(%arg5 : memref<80x256xi32, #tpu.memory_space<vmem>>)
      tpu.yield
    }) : () -> ()
    %scan3A_23 = arith.constant 0 : i32
    %scan3A_24 = arith.constant 10 : i32
    %scan3A_25 = arith.addi %scan3A_23, %scan3A_24 : i32
    %scan3A_26 = arith.constant 1 : i32
    scf.for %scan3A_45 = %scan3A_23 to %scan3A_25 step %scan3A_26  : i32 {
      %mul3A_46 = arith.constant 8 : i32
      %mul3A_47 = arith.muli %scan3A_45, %mul3A_46 : i32
      %add3A_48 = arith.constant 0 : i32
      %add3A_49 = arith.addi %add3A_48, %mul3A_47 : i32
      %add3A_50 = arith.constant 0 : i32
      %add3A_51 = arith.addi %add3A_49, %add3A_50 : i32
      %dma_start3A = arith.constant 0 : i32
      %dma_start3A_52 = tpu.memref_slice %arg5[%add3A_51, %dma_start3A] : memref<80x256xi32, #tpu.memory_space<vmem>> -> memref<1x256xi32, #tpu.memory_space<vmem>>
      %dma_start3A_53 = tpu.memref_squeeze %dma_start3A_52 : memref<1x256xi32, #tpu.memory_space<vmem>> -> memref<256xi32, #tpu.memory_space<vmem>>
      %dma_start3A_54 = arith.constant 0 : i32
      %dma_start3A_55 = tpu.memref_slice %arg9[%dma_start3A_54] : memref<10240xf32, #tpu.memory_space<vmem_shared>> -> memref<10240xf32, #tpu.memory_space<vmem_shared>>
      tpu.enqueue_indirect_dma source(%arg6 : memref<256xf32, #tpu.memory_space<vmem>>) target(%dma_start3A_55 : memref<10240xf32, #tpu.memory_space<vmem_shared>>) offsets(%dma_start3A_53 : memref<256xi32, #tpu.memory_space<vmem>>) semaphore(%arg10 : memref<!tpu.dma_semaphore, #tpu.memory_space<semaphore_mem>>) {add = true}
      %add3A_56 = arith.constant 1 : i32
      %add3A_57 = arith.addi %add3A_49, %add3A_56 : i32
      %dma_start3A_58 = arith.constant 0 : i32
      %dma_start3A_59 = tpu.memref_slice %arg5[%add3A_57, %dma_start3A_58] : memref<80x256xi32, #tpu.memory_space<vmem>> -> memref<1x256xi32, #tpu.memory_space<vmem>>
      %dma_start3A_60 = tpu.memref_squeeze %dma_start3A_59 : memref<1x256xi32, #tpu.memory_space<vmem>> -> memref<256xi32, #tpu.memory_space<vmem>>
      %dma_start3A_61 = arith.constant 0 : i32
      %dma_start3A_62 = tpu.memref_slice %arg9[%dma_start3A_61] : memref<10240xf32, #tpu.memory_space<vmem_shared>> -> memref<10240xf32, #tpu.memory_space<vmem_shared>>
      tpu.enqueue_indirect_dma source(%arg6 : memref<256xf32, #tpu.memory_space<vmem>>) target(%dma_start3A_62 : memref<10240xf32, #tpu.memory_space<vmem_shared>>) offsets(%dma_start3A_60 : memref<256xi32, #tpu.memory_space<vmem>>) semaphore(%arg10 : memref<!tpu.dma_semaphore, #tpu.memory_space<semaphore_mem>>) {add = true}
      %add3A_63 = arith.constant 2 : i32
      %add3A_64 = arith.addi %add3A_49, %add3A_63 : i32
      %dma_start3A_65 = arith.constant 0 : i32
      %dma_start3A_66 = tpu.memref_slice %arg5[%add3A_64, %dma_start3A_65] : memref<80x256xi32, #tpu.memory_space<vmem>> -> memref<1x256xi32, #tpu.memory_space<vmem>>
      %dma_start3A_67 = tpu.memref_squeeze %dma_start3A_66 : memref<1x256xi32, #tpu.memory_space<vmem>> -> memref<256xi32, #tpu.memory_space<vmem>>
      %dma_start3A_68 = arith.constant 0 : i32
      %dma_start3A_69 = tpu.memref_slice %arg9[%dma_start3A_68] : memref<10240xf32, #tpu.memory_space<vmem_shared>> -> memref<10240xf32, #tpu.memory_space<vmem_shared>>
      tpu.enqueue_indirect_dma source(%arg6 : memref<256xf32, #tpu.memory_space<vmem>>) target(%dma_start3A_69 : memref<10240xf32, #tpu.memory_space<vmem_shared>>) offsets(%dma_start3A_67 : memref<256xi32, #tpu.memory_space<vmem>>) semaphore(%arg10 : memref<!tpu.dma_semaphore, #tpu.memory_space<semaphore_mem>>) {add = true}
      %add3A_70 = arith.constant 3 : i32
      %add3A_71 = arith.addi %add3A_49, %add3A_70 : i32
      %dma_start3A_72 = arith.constant 0 : i32
      %dma_start3A_73 = tpu.memref_slice %arg5[%add3A_71, %dma_start3A_72] : memref<80x256xi32, #tpu.memory_space<vmem>> -> memref<1x256xi32, #tpu.memory_space<vmem>>
      %dma_start3A_74 = tpu.memref_squeeze %dma_start3A_73 : memref<1x256xi32, #tpu.memory_space<vmem>> -> memref<256xi32, #tpu.memory_space<vmem>>
      %dma_start3A_75 = arith.constant 0 : i32
      %dma_start3A_76 = tpu.memref_slice %arg9[%dma_start3A_75] : memref<10240xf32, #tpu.memory_space<vmem_shared>> -> memref<10240xf32, #tpu.memory_space<vmem_shared>>
      tpu.enqueue_indirect_dma source(%arg6 : memref<256xf32, #tpu.memory_space<vmem>>) target(%dma_start3A_76 : memref<10240xf32, #tpu.memory_space<vmem_shared>>) offsets(%dma_start3A_74 : memref<256xi32, #tpu.memory_space<vmem>>) semaphore(%arg10 : memref<!tpu.dma_semaphore, #tpu.memory_space<semaphore_mem>>) {add = true}
      %add3A_77 = arith.constant 4 : i32
      %add3A_78 = arith.addi %add3A_49, %add3A_77 : i32
      %dma_start3A_79 = arith.constant 0 : i32
      %dma_start3A_80 = tpu.memref_slice %arg5[%add3A_78, %dma_start3A_79] : memref<80x256xi32, #tpu.memory_space<vmem>> -> memref<1x256xi32, #tpu.memory_space<vmem>>
      %dma_start3A_81 = tpu.memref_squeeze %dma_start3A_80 : memref<1x256xi32, #tpu.memory_space<vmem>> -> memref<256xi32, #tpu.memory_space<vmem>>
      %dma_start3A_82 = arith.constant 0 : i32
      %dma_start3A_83 = tpu.memref_slice %arg9[%dma_start3A_82] : memref<10240xf32, #tpu.memory_space<vmem_shared>> -> memref<10240xf32, #tpu.memory_space<vmem_shared>>
      tpu.enqueue_indirect_dma source(%arg6 : memref<256xf32, #tpu.memory_space<vmem>>) target(%dma_start3A_83 : memref<10240xf32, #tpu.memory_space<vmem_shared>>) offsets(%dma_start3A_81 : memref<256xi32, #tpu.memory_space<vmem>>) semaphore(%arg10 : memref<!tpu.dma_semaphore, #tpu.memory_space<semaphore_mem>>) {add = true}
      %add3A_84 = arith.constant 5 : i32
      %add3A_85 = arith.addi %add3A_49, %add3A_84 : i32
      %dma_start3A_86 = arith.constant 0 : i32
      %dma_start3A_87 = tpu.memref_slice %arg5[%add3A_85, %dma_start3A_86] : memref<80x256xi32, #tpu.memory_space<vmem>> -> memref<1x256xi32, #tpu.memory_space<vmem>>
      %dma_start3A_88 = tpu.memref_squeeze %dma_start3A_87 : memref<1x256xi32, #tpu.memory_space<vmem>> -> memref<256xi32, #tpu.memory_space<vmem>>
      %dma_start3A_89 = arith.constant 0 : i32
      %dma_start3A_90 = tpu.memref_slice %arg9[%dma_start3A_89] : memref<10240xf32, #tpu.memory_space<vmem_shared>> -> memref<10240xf32, #tpu.memory_space<vmem_shared>>
      tpu.enqueue_indirect_dma source(%arg6 : memref<256xf32, #tpu.memory_space<vmem>>) target(%dma_start3A_90 : memref<10240xf32, #tpu.memory_space<vmem_shared>>) offsets(%dma_start3A_88 : memref<256xi32, #tpu.memory_space<vmem>>) semaphore(%arg10 : memref<!tpu.dma_semaphore, #tpu.memory_space<semaphore_mem>>) {add = true}
      %add3A_91 = arith.constant 6 : i32
      %add3A_92 = arith.addi %add3A_49, %add3A_91 : i32
      %dma_start3A_93 = arith.constant 0 : i32
      %dma_start3A_94 = tpu.memref_slice %arg5[%add3A_92, %dma_start3A_93] : memref<80x256xi32, #tpu.memory_space<vmem>> -> memref<1x256xi32, #tpu.memory_space<vmem>>
      %dma_start3A_95 = tpu.memref_squeeze %dma_start3A_94 : memref<1x256xi32, #tpu.memory_space<vmem>> -> memref<256xi32, #tpu.memory_space<vmem>>
      %dma_start3A_96 = arith.constant 0 : i32
      %dma_start3A_97 = tpu.memref_slice %arg9[%dma_start3A_96] : memref<10240xf32, #tpu.memory_space<vmem_shared>> -> memref<10240xf32, #tpu.memory_space<vmem_shared>>
      tpu.enqueue_indirect_dma source(%arg6 : memref<256xf32, #tpu.memory_space<vmem>>) target(%dma_start3A_97 : memref<10240xf32, #tpu.memory_space<vmem_shared>>) offsets(%dma_start3A_95 : memref<256xi32, #tpu.memory_space<vmem>>) semaphore(%arg10 : memref<!tpu.dma_semaphore, #tpu.memory_space<semaphore_mem>>) {add = true}
      %add3A_98 = arith.constant 7 : i32
      %add3A_99 = arith.addi %add3A_49, %add3A_98 : i32
      %dma_start3A_100 = arith.constant 0 : i32
      %dma_start3A_101 = tpu.memref_slice %arg5[%add3A_99, %dma_start3A_100] : memref<80x256xi32, #tpu.memory_space<vmem>> -> memref<1x256xi32, #tpu.memory_space<vmem>>
      %dma_start3A_102 = tpu.memref_squeeze %dma_start3A_101 : memref<1x256xi32, #tpu.memory_space<vmem>> -> memref<256xi32, #tpu.memory_space<vmem>>
      %dma_start3A_103 = arith.constant 0 : i32
      %dma_start3A_104 = tpu.memref_slice %arg9[%dma_start3A_103] : memref<10240xf32, #tpu.memory_space<vmem_shared>> -> memref<10240xf32, #tpu.memory_space<vmem_shared>>
      tpu.enqueue_indirect_dma source(%arg6 : memref<256xf32, #tpu.memory_space<vmem>>) target(%dma_start3A_104 : memref<10240xf32, #tpu.memory_space<vmem_shared>>) offsets(%dma_start3A_102 : memref<256xi32, #tpu.memory_space<vmem>>) semaphore(%arg10 : memref<!tpu.dma_semaphore, #tpu.memory_space<semaphore_mem>>) {add = true}
      %dma_wait3A = arith.constant 0 : i32
      %dma_wait3A_105 = tpu.memref_slice %arg5[%add3A_49, %dma_wait3A] : memref<80x256xi32, #tpu.memory_space<vmem>> -> memref<1x256xi32, #tpu.memory_space<vmem>>
      %dma_wait3A_106 = tpu.memref_squeeze %dma_wait3A_105 : memref<1x256xi32, #tpu.memory_space<vmem>> -> memref<256xi32, #tpu.memory_space<vmem>>
      %dma_wait3A_107 = arith.constant 0 : i32
      %dma_wait3A_108 = tpu.memref_slice %arg9[%dma_wait3A_107] : memref<10240xf32, #tpu.memory_space<vmem_shared>> -> memref<10240xf32, #tpu.memory_space<vmem_shared>>
      tpu.wait_indirect_dma semaphore(%arg10 : memref<!tpu.dma_semaphore, #tpu.memory_space<semaphore_mem>>) src(%arg6 : memref<256xf32, #tpu.memory_space<vmem>>) dst(%dma_wait3A_108 : memref<10240xf32, #tpu.memory_space<vmem_shared>>)
      %dma_wait3A_109 = arith.constant 0 : i32
      %dma_wait3A_110 = tpu.memref_slice %arg5[%add3A_49, %dma_wait3A_109] : memref<80x256xi32, #tpu.memory_space<vmem>> -> memref<1x256xi32, #tpu.memory_space<vmem>>
      %dma_wait3A_111 = tpu.memref_squeeze %dma_wait3A_110 : memref<1x256xi32, #tpu.memory_space<vmem>> -> memref<256xi32, #tpu.memory_space<vmem>>
      %dma_wait3A_112 = arith.constant 0 : i32
      %dma_wait3A_113 = tpu.memref_slice %arg9[%dma_wait3A_112] : memref<10240xf32, #tpu.memory_space<vmem_shared>> -> memref<10240xf32, #tpu.memory_space<vmem_shared>>
      tpu.wait_indirect_dma semaphore(%arg10 : memref<!tpu.dma_semaphore, #tpu.memory_space<semaphore_mem>>) src(%arg6 : memref<256xf32, #tpu.memory_space<vmem>>) dst(%dma_wait3A_113 : memref<10240xf32, #tpu.memory_space<vmem_shared>>)
      %dma_wait3A_114 = arith.constant 0 : i32
      %dma_wait3A_115 = tpu.memref_slice %arg5[%add3A_49, %dma_wait3A_114] : memref<80x256xi32, #tpu.memory_space<vmem>> -> memref<1x256xi32, #tpu.memory_space<vmem>>
      %dma_wait3A_116 = tpu.memref_squeeze %dma_wait3A_115 : memref<1x256xi32, #tpu.memory_space<vmem>> -> memref<256xi32, #tpu.memory_space<vmem>>
      %dma_wait3A_117 = arith.constant 0 : i32
      %dma_wait3A_118 = tpu.memref_slice %arg9[%dma_wait3A_117] : memref<10240xf32, #tpu.memory_space<vmem_shared>> -> memref<10240xf32, #tpu.memory_space<vmem_shared>>
      tpu.wait_indirect_dma semaphore(%arg10 : memref<!tpu.dma_semaphore, #tpu.memory_space<semaphore_mem>>) src(%arg6 : memref<256xf32, #tpu.memory_space<vmem>>) dst(%dma_wait3A_118 : memref<10240xf32, #tpu.memory_space<vmem_shared>>)
      %dma_wait3A_119 = arith.constant 0 : i32
      %dma_wait3A_120 = tpu.memref_slice %arg5[%add3A_49, %dma_wait3A_119] : memref<80x256xi32, #tpu.memory_space<vmem>> -> memref<1x256xi32, #tpu.memory_space<vmem>>
      %dma_wait3A_121 = tpu.memref_squeeze %dma_wait3A_120 : memref<1x256xi32, #tpu.memory_space<vmem>> -> memref<256xi32, #tpu.memory_space<vmem>>
      %dma_wait3A_122 = arith.constant 0 : i32
      %dma_wait3A_123 = tpu.memref_slice %arg9[%dma_wait3A_122] : memref<10240xf32, #tpu.memory_space<vmem_shared>> -> memref<10240xf32, #tpu.memory_space<vmem_shared>>
      tpu.wait_indirect_dma semaphore(%arg10 : memref<!tpu.dma_semaphore, #tpu.memory_space<semaphore_mem>>) src(%arg6 : memref<256xf32, #tpu.memory_space<vmem>>) dst(%dma_wait3A_123 : memref<10240xf32, #tpu.memory_space<vmem_shared>>)
      %dma_wait3A_124 = arith.constant 0 : i32
      %dma_wait3A_125 = tpu.memref_slice %arg5[%add3A_49, %dma_wait3A_124] : memref<80x256xi32, #tpu.memory_space<vmem>> -> memref<1x256xi32, #tpu.memory_space<vmem>>
      %dma_wait3A_126 = tpu.memref_squeeze %dma_wait3A_125 : memref<1x256xi32, #tpu.memory_space<vmem>> -> memref<256xi32, #tpu.memory_space<vmem>>
      %dma_wait3A_127 = arith.constant 0 : i32
      %dma_wait3A_128 = tpu.memref_slice %arg9[%dma_wait3A_127] : memref<10240xf32, #tpu.memory_space<vmem_shared>> -> memref<10240xf32, #tpu.memory_space<vmem_shared>>
      tpu.wait_indirect_dma semaphore(%arg10 : memref<!tpu.dma_semaphore, #tpu.memory_space<semaphore_mem>>) src(%arg6 : memref<256xf32, #tpu.memory_space<vmem>>) dst(%dma_wait3A_128 : memref<10240xf32, #tpu.memory_space<vmem_shared>>)
      %dma_wait3A_129 = arith.constant 0 : i32
      %dma_wait3A_130 = tpu.memref_slice %arg5[%add3A_49, %dma_wait3A_129] : memref<80x256xi32, #tpu.memory_space<vmem>> -> memref<1x256xi32, #tpu.memory_space<vmem>>
      %dma_wait3A_131 = tpu.memref_squeeze %dma_wait3A_130 : memref<1x256xi32, #tpu.memory_space<vmem>> -> memref<256xi32, #tpu.memory_space<vmem>>
      %dma_wait3A_132 = arith.constant 0 : i32
      %dma_wait3A_133 = tpu.memref_slice %arg9[%dma_wait3A_132] : memref<10240xf32, #tpu.memory_space<vmem_shared>> -> memref<10240xf32, #tpu.memory_space<vmem_shared>>
      tpu.wait_indirect_dma semaphore(%arg10 : memref<!tpu.dma_semaphore, #tpu.memory_space<semaphore_mem>>) src(%arg6 : memref<256xf32, #tpu.memory_space<vmem>>) dst(%dma_wait3A_133 : memref<10240xf32, #tpu.memory_space<vmem_shared>>)
      %dma_wait3A_134 = arith.constant 0 : i32
      %dma_wait3A_135 = tpu.memref_slice %arg5[%add3A_49, %dma_wait3A_134] : memref<80x256xi32, #tpu.memory_space<vmem>> -> memref<1x256xi32, #tpu.memory_space<vmem>>
      %dma_wait3A_136 = tpu.memref_squeeze %dma_wait3A_135 : memref<1x256xi32, #tpu.memory_space<vmem>> -> memref<256xi32, #tpu.memory_space<vmem>>
      %dma_wait3A_137 = arith.constant 0 : i32
      %dma_wait3A_138 = tpu.memref_slice %arg9[%dma_wait3A_137] : memref<10240xf32, #tpu.memory_space<vmem_shared>> -> memref<10240xf32, #tpu.memory_space<vmem_shared>>
      tpu.wait_indirect_dma semaphore(%arg10 : memref<!tpu.dma_semaphore, #tpu.memory_space<semaphore_mem>>) src(%arg6 : memref<256xf32, #tpu.memory_space<vmem>>) dst(%dma_wait3A_138 : memref<10240xf32, #tpu.memory_space<vmem_shared>>)
      %dma_wait3A_139 = arith.constant 0 : i32
      %dma_wait3A_140 = tpu.memref_slice %arg5[%add3A_49, %dma_wait3A_139] : memref<80x256xi32, #tpu.memory_space<vmem>> -> memref<1x256xi32, #tpu.memory_space<vmem>>
      %dma_wait3A_141 = tpu.memref_squeeze %dma_wait3A_140 : memref<1x256xi32, #tpu.memory_space<vmem>> -> memref<256xi32, #tpu.memory_space<vmem>>
      %dma_wait3A_142 = arith.constant 0 : i32
      %dma_wait3A_143 = tpu.memref_slice %arg9[%dma_wait3A_142] : memref<10240xf32, #tpu.memory_space<vmem_shared>> -> memref<10240xf32, #tpu.memory_space<vmem_shared>>
      tpu.wait_indirect_dma semaphore(%arg10 : memref<!tpu.dma_semaphore, #tpu.memory_space<semaphore_mem>>) src(%arg6 : memref<256xf32, #tpu.memory_space<vmem>>) dst(%dma_wait3A_143 : memref<10240xf32, #tpu.memory_space<vmem_shared>>)
    }
    %scan3A_27 = arith.constant 10 : i32
    %barrier3A_28 = arith.constant 0 : index
    tpu.barrier barrier_id(%barrier3A_28)
    %mul3A_29 = arith.constant 640 : i32
    %mul3A_30 = arith.muli %arg1, %mul3A_29 : i32
    %mul3A_31 = arith.constant 2 : i32
    %mul3A_32 = arith.muli %mul3A_31, %arg0 : i32
    %add3A_33 = arith.constant 0 : i32
    %add3A_34 = arith.addi %mul3A_32, %add3A_33 : i32
    %mul3A_35 = arith.constant 640 : i32
    %mul3A_36 = arith.muli %arg1, %mul3A_35 : i32
    "tpu.region"() ({
      %run_scoped3A = tpu.sem_alloc : memref<!tpu.dma_semaphore, #tpu.memory_space<semaphore_mem>>
      %dma_start3A = arith.constant 0 : i32
      %dma_start3A_45 = tpu.memref_slice %arg4[%add3A_34, %dma_start3A] : memref<4x10240xf32, #tpu.memory_space<hbm>> -> memref<1x10240xf32, #tpu.memory_space<hbm>>
      %dma_start3A_46 = tpu.memref_squeeze %dma_start3A_45 : memref<1x10240xf32, #tpu.memory_space<hbm>> -> memref<10240xf32, #tpu.memory_space<hbm>>
      %dma_start3A_47 = tpu.memref_slice %dma_start3A_46[%mul3A_36] : memref<10240xf32, #tpu.memory_space<hbm>> -> memref<640xf32, #tpu.memory_space<hbm>>
      %dma_start3A_48 = tpu.memref_slice %arg8[%mul3A_30] : memref<10240xf32, #tpu.memory_space<vmem_shared>> -> memref<640xf32, #tpu.memory_space<vmem_shared>>
      tpu.enqueue_dma source(%dma_start3A_48 : memref<640xf32, #tpu.memory_space<vmem_shared>>) target(%dma_start3A_47 : memref<640xf32, #tpu.memory_space<hbm>>) target_semaphore(%run_scoped3A : memref<!tpu.dma_semaphore, #tpu.memory_space<semaphore_mem>>)
      %dma_wait3A = arith.constant 0 : i32
      %dma_wait3A_49 = tpu.memref_slice %arg4[%add3A_34, %dma_wait3A] : memref<4x10240xf32, #tpu.memory_space<hbm>> -> memref<1x10240xf32, #tpu.memory_space<hbm>>
      %dma_wait3A_50 = tpu.memref_squeeze %dma_wait3A_49 : memref<1x10240xf32, #tpu.memory_space<hbm>> -> memref<10240xf32, #tpu.memory_space<hbm>>
      %dma_wait3A_51 = tpu.memref_slice %dma_wait3A_50[%mul3A_36] : memref<10240xf32, #tpu.memory_space<hbm>> -> memref<640xf32, #tpu.memory_space<hbm>>
      %dma_wait3A_52 = tpu.memref_slice %arg8[%mul3A_30] : memref<10240xf32, #tpu.memory_space<vmem_shared>> -> memref<640xf32, #tpu.memory_space<vmem_shared>>
      tpu.wait_dma2 semaphore(%run_scoped3A : memref<!tpu.dma_semaphore, #tpu.memory_space<semaphore_mem>>) src(%dma_wait3A_52 : memref<640xf32, #tpu.memory_space<vmem_shared>>) dst(%dma_wait3A_51 : memref<640xf32, #tpu.memory_space<hbm>>)
      tpu.yield
    }) : () -> ()
    %mul3A_37 = arith.constant 640 : i32
    %mul3A_38 = arith.muli %arg1, %mul3A_37 : i32
    %mul3A_39 = arith.constant 2 : i32
    %mul3A_40 = arith.muli %mul3A_39, %arg0 : i32
    %add3A_41 = arith.constant 1 : i32
    %add3A_42 = arith.addi %mul3A_40, %add3A_41 : i32
    %mul3A_43 = arith.constant 640 : i32
    %mul3A_44 = arith.muli %arg1, %mul3A_43 : i32
    "tpu.region"() ({
      %run_scoped3A = tpu.sem_alloc : memref<!tpu.dma_semaphore, #tpu.memory_space<semaphore_mem>>
      %dma_start3A = arith.constant 0 : i32
      %dma_start3A_45 = tpu.memref_slice %arg4[%add3A_42, %dma_start3A] : memref<4x10240xf32, #tpu.memory_space<hbm>> -> memref<1x10240xf32, #tpu.memory_space<hbm>>
      %dma_start3A_46 = tpu.memref_squeeze %dma_start3A_45 : memref<1x10240xf32, #tpu.memory_space<hbm>> -> memref<10240xf32, #tpu.memory_space<hbm>>
      %dma_start3A_47 = tpu.memref_slice %dma_start3A_46[%mul3A_44] : memref<10240xf32, #tpu.memory_space<hbm>> -> memref<640xf32, #tpu.memory_space<hbm>>
      %dma_start3A_48 = tpu.memref_slice %arg9[%mul3A_38] : memref<10240xf32, #tpu.memory_space<vmem_shared>> -> memref<640xf32, #tpu.memory_space<vmem_shared>>
      tpu.enqueue_dma source(%dma_start3A_48 : memref<640xf32, #tpu.memory_space<vmem_shared>>) target(%dma_start3A_47 : memref<640xf32, #tpu.memory_space<hbm>>) target_semaphore(%run_scoped3A : memref<!tpu.dma_semaphore, #tpu.memory_space<semaphore_mem>>)
      %dma_wait3A = arith.constant 0 : i32
      %dma_wait3A_49 = tpu.memref_slice %arg4[%add3A_42, %dma_wait3A] : memref<4x10240xf32, #tpu.memory_space<hbm>> -> memref<1x10240xf32, #tpu.memory_space<hbm>>
      %dma_wait3A_50 = tpu.memref_squeeze %dma_wait3A_49 : memref<1x10240xf32, #tpu.memory_space<hbm>> -> memref<10240xf32, #tpu.memory_space<hbm>>
      %dma_wait3A_51 = tpu.memref_slice %dma_wait3A_50[%mul3A_44] : memref<10240xf32, #tpu.memory_space<hbm>> -> memref<640xf32, #tpu.memory_space<hbm>>
      %dma_wait3A_52 = tpu.memref_slice %arg9[%mul3A_38] : memref<10240xf32, #tpu.memory_space<vmem_shared>> -> memref<640xf32, #tpu.memory_space<vmem_shared>>
      tpu.wait_dma2 semaphore(%run_scoped3A : memref<!tpu.dma_semaphore, #tpu.memory_space<semaphore_mem>>) src(%dma_wait3A_52 : memref<640xf32, #tpu.memory_space<vmem_shared>>) dst(%dma_wait3A_51 : memref<640xf32, #tpu.memory_space<hbm>>)
      tpu.yield
    }) : () -> ()
    return
  }
}

</mosaic_0001>

<sc_bundles>
// kernel: _deg.3.cloned.1.call-start
scs
__scs_entry_jumppad:
0x0: {  	(pc) =	sbr.rel $0x88, $3  }
0x1: {  	(tag) =	ssettag $0x0;
	lr =	simm.s32 $0x1  }
0x2: {  	[smem:$0x3F9F] =	sst lr;
	_ =	strace $0xD0000000  }
0x3: {  	_ = 	snop  }
0x4: {  	_ = 	snop  }
0x5: {  	_ = 	snop  }
0x6: {  	_ = 	snop  }
0x7: {  	_ = 	snop  }
__scs_overlays_trampoline_lowered:
0x8: {  	[smem:$0x3FAE] =	sst s0  }
0x9: {  	[smem:$0x3FAF] =	sst s1  }
0xa: {  	[smem:$0x3FB0] =	sst s2  }
0xb: {  	[smem:$0x3FB1] =	sst s3  }
0xc: {  	[smem:$0x3FB2] =	sst s4  }
0xd: {  	[smem:$0x3FB3] =	sst s5  }
0xe: {  	[smem:$0x3FB4] =	sst s6  }
0xf: {  	[smem:$0x3FB5] =	sst s7  }
0x10: {  	[smem:$0x3FB6] =	sst s8  }
0x11: {  	[smem:$0x3FB7] =	sst s9;
	s0 =	simm.s32 @!p0 $0x0  }
0x12: {  	s1 =	sld [smem:$0x3F9D];
	s0 =	simm.s32 @p0 $0x1  }
0x13: {  	[smem:$0x3FB8] =	sst s0;
	s0 =	simm.s32 @!p1 $0x0  }
0x14: {  	s2 =	sld [smem:$0x3F9C];
	s0 =	simm.s32 @p1 $0x1  }
0x15: {  	[smem:$0x3FB9] =	sst s0;
	s0 =	simm.s32 @!p2 $0x0  }
0x16: {  	s3 =	sld [smem:$0x3FDB];
	s0 =	simm.s32 @p2 $0x1  }
0x17: {  	s4 =	simm.s32 $0x1BF5;
	[smem:$0x3FBB] =	sst s0  }
0x18: {  	s0 =	sld [smem:$0x3F9E];
	_ =	swait.ge [sflag:s4], $0x0  }
0x19: {  	s7 =	sld [smem:$0x3F9F]  }
0x1a: {  	s8 =	sadd.s32 $0xFFFFE003, lr  }
0x1b: {  	s9 =	sadd.s32 $0xFFFFFEF7, lr;
	s5 =	simm.s32 $0xFFFFFFFF;
	p2 =	slt.u32 s8, $0xFFFFF086  }
0x1c: {  	p1 =	slt.u32 s9, $0xF7A;
	s5 =	simm.s32 @!p2 $0x0  }
0x1d: {  	s5 =	simm.s32 @p1 $0x1;
	p0 =	seq.s32 s7, s2  }
0x1e: {  	s7 =	smul.u32 @!p0 $0xF7A, s2;
	p2 =	seq.s32 @!p0 s5, $0x0  }
0x1f: {  	s9 =	smul.u32 $0xF7A, s1;
	s8 =	simm.s32 @!p0 $0x1BF5;
	p2 =	por !p2, p0  }
0x20: {  	[sflag:s8] =	ssyncset.s32 @!p0 $0xFFFFF086;
	s6 =	sadd.s32 @!p0 s3, s7;
	s7 =	simm.s32 @!p0 $0x108  }
0x21: {  	s3 =	sadd.s32 s3, s9;
	s6 =	sadd.s32 @!p0 $0x88, s6;
	s7 =	simm.s32 @p2 $0x1082  }
0x22: {  	[simem:s7], [sflag:s8] =	dma.local @!p0 [hbm:s6], $0xF7A  }
0x23: {  	s9 =	sor.u32 $0xD0000000, s2;
	s6 =	simm.s32 $0x108;
	_ =	swait.ge @!p0 [sflag:s8], $0x0  }
0x24: {  	s3 =	sadd.s32 $0x88, s3;
	s6 =	simm.s32 @!p1 $0x1082;
	[sflag:s4] =	ssyncset.s32 $0xFFFFF086  }
0x25: {  	[simem:s6], [sflag:s4] =	dma.local [hbm:s3], $0xF7A  }
0x26: {  	[smem:$0x3F9F] =	sst s1;
	(tag) =	ssettag s2;
	_ =	strace s9  }
0x27: {  	s1 =	sld [smem:$0x3FAF]  }
0x28: {  	s2 =	sld [smem:$0x3FB0]  }
0x29: {  	s4 =	sld [smem:$0x3FB2]  }
0x2a: {  	p0 =	seq.s32 s5, $0x0;
	s5 =	sld [smem:$0x3FB3]  }
0x2b: {  	s6 =	sld [smem:$0x3FB4]  }
0x2c: {  	s7 =	sld [smem:$0x3FB5]  }
0x2d: {  	s3 =	simm.s32 $0x108;
	s8 =	sld [smem:$0x3FB6]  }
0x2e: {  	s3 =	simm.s32 @!p0 $0x1082;
	s9 =	sld [smem:$0x3FB7]  }
0x2f: {  	lr =	sadd.s32 s0, s3;
	s0 =	sld [smem:$0x3FAE]  }
0x30: {  	s3 =	sld [smem:$0x3FB1]  }
0x31: {  	[smem:$0x3FBA] =	sst s10  }
0x32: {  	s10 =	sld [smem:$0x3FB8];
	_ =	sdelay $0x3  }
0x33: {  	p0 =	seq.s32 s10, $0x1;
	s10 =	sld [smem:$0x3FBA];
	_ =	sdelay $0x3  }
0x34: {  	[smem:$0x3FBA] =	sst s10  }
0x35: {  	s10 =	sld [smem:$0x3FB9];
	_ =	sdelay $0x3  }
0x36: {  	p1 =	seq.s32 s10, $0x1;
	s10 =	sld [smem:$0x3FBA];
	_ =	sdelay $0x3  }
0x37: {  	[smem:$0x3FBA] =	sst s10  }
0x38: {  	s10 =	sld [smem:$0x3FBB]  }
0x39: {  	_ = 	snop;
	(pc) =	sbr.ind lr, $3  }
0x3a: {  	_ = 	snop  }
0x3b: {  	_ = 	snop  }
0x3c: {  	p2 =	seq.s32 s10, $0x1;
	s10 =	sld [smem:$0x3FBA]  }
0x3d: {  	_ =	shalt  }
0x3e: {  	_ =	shalt  }
0x3f: {  	_ =	shalt  }
0x40: {  	_ =	shalt  }
0x41: {  	_ =	shalt  }
0x42: {  	_ =	shalt  }
0x43: {  	_ =	shalt  }
0x44: {  	_ =	shalt  }
0x45: {  	_ =	shalt  }
0x46: {  	_ =	shalt  }
0x47: {  	_ =	shalt  }
0x48: {  	_ =	shalt  }
0x49: {  	_ =	shalt  }
0x4a: {  	_ =	shalt  }
0x4b: {  	_ =	shalt  }
0x4c: {  	_ =	shalt  }
0x4d: {  	_ =	shalt  }
0x4e: {  	_ =	shalt  }
0x4f: {  	_ =	shalt  }
0x50: {  	_ =	shalt  }
0x51: {  	_ =	shalt  }
0x52: {  	_ =	shalt  }
0x53: {  	_ =	shalt  }
0x54: {  	_ =	shalt  }
0x55: {  	_ =	shalt  }
0x56: {  	_ =	shalt  }
0x57: {  	_ =	shalt  }
0x58: {  	_ =	shalt  }
0x59: {  	_ =	shalt  }
0x5a: {  	_ =	shalt  }
0x5b: {  	_ =	shalt  }
0x5c: {  	_ =	shalt  }
0x5d: {  	_ =	shalt  }
0x5e: {  	_ =	shalt  }
0x5f: {  	_ =	shalt  }
0x60: {  	_ =	shalt  }
0x61: {  	_ =	shalt  }
0x62: {  	_ =	shalt  }
0x63: {  	_ =	shalt  }
0x64: {  	_ =	shalt  }
0x65: {  	_ =	shalt  }
0x66: {  	_ =	shalt  }
0x67: {  	_ =	shalt  }
0x68: {  	_ =	shalt  }
0x69: {  	_ =	shalt  }
0x6a: {  	_ =	shalt  }
0x6b: {  	_ =	shalt  }
0x6c: {  	_ =	shalt  }
0x6d: {  	_ =	shalt  }
0x6e: {  	_ =	shalt  }
0x6f: {  	_ =	shalt  }
0x70: {  	_ =	shalt  }
0x71: {  	_ =	shalt  }
0x72: {  	_ =	shalt  }
0x73: {  	_ =	shalt  }
0x74: {  	_ =	shalt  }
0x75: {  	_ =	shalt  }
0x76: {  	_ =	shalt  }
0x77: {  	_ =	shalt  }
0x78: {  	_ =	shalt  }
0x79: {  	_ =	shalt  }
0x7a: {  	_ =	shalt  }
0x7b: {  	_ =	shalt  }
0x7c: {  	_ =	shalt  }
0x7d: {  	_ =	shalt  }
0x7e: {  	_ =	shalt  }
0x7f: {  	_ =	shalt  }
0x80: {  	_ =	shalt  }
0x81: {  	_ =	shalt  }
0x82: {  	_ =	shalt  }
0x83: {  	_ =	shalt  }
0x84: {  	_ =	shalt  }
0x85: {  	_ =	shalt  }
0x86: {  	_ =	shalt  }
0x87: {  	_ =	shalt  }
.Lfunc_end0:
.L_simem_size_0:
called_computation_lowered:
.L_overlay_start_0:
0x88: {  	s2 =	sld [smem:$0x3FD9]  }
0x89: {  	s3 =	sld [smem:$0x3FFE];
	_ =	sdelay $0x1  }
0x8a: {  	s1 =	srdreg.scid  }
0x8b: {  	s0 =	sand.u32 $0x1, s1  }
0x8c: {  	s17 =	sshll.u32 s0, $0xA;
	s2 =	sadd.s32 s3, s2  }
0x8d: {  	s2 =	sadd.s32 s2, s17  }
0x8e: {  	[smem:$0x3FC6] =	sst s2  }
0x8f: {  	_ = 	snop  }
0x90: {  	s2 =	sld [smem:$0x3FC8];
	(tm) =	ssettm $0x1  }
0x91: {  	s18 =	sld [smem:$0x3FFB];
	_ =	sdelay $0x3  }
0x92: {  	_ =	strace s18  }
0x93: {  	s3 =	sld [smem:$0x3FFC];
	_ =	sdelay $0x3  }
0x94: {  	_ =	strace s3  }
0x95: {  	s3 =	sld [smem:$0x3FFD];
	_ =	sdelay $0x3  }
0x96: {  	_ =	strace s3  }
0x97: {  	_ =	strace $0x8FFFFFFF  }
0x98: {  	s19 =	sld [smem:$0x3FDB];
	_ =	sdelay $0x1  }
0x99: {  	s4 =	simm.s32 $_scs_section_size  }
0x9a: {  	s5 =	simm.s32 $_size__tile_overlayer_lowered;
	s6 =	simm.s32 $_tile_overlayer_lowered  }
0x9b: {  	s22 =	simm.s32 $0x1BFF;
	s21 =	sshll.u32 s6, $0x1;
	s3 =	sadd.s32 s4, s19  }
0x9c: {  	s7 =	simm.s32 $0x0;
	s20 =	sshll.u32 s5, $0x1;
	s5 =	sadd.s32 s21, s3  }
0x9d: {  	[timem:s7], [sflag:s22] =	dma.local [hbm:s5], s20  }
0x9e: {  	_ =	swait.ge [sflag:s22], s20  }
0x9f: {  	s4 =	ssub.s32 $0x0, s20;
	[sflag:s22] =	ssyncset.done $0x0  }
0xa0: {  	[sflag:s22] =	ssyncadd.s32 s4;
	_ =	sdelay $0x1  }
0xa1: {  	s23 =	simm.s32 $0x1B8B  }
0xa2: {  	_ =	swait.ge [sflag:s23], $0x1  }
0xa3: {  	[sflag:s23] =	ssyncset.done $0x0  }
0xa4: {  	s25 =	simm.s32 $0x1B8E;
	s24 =	sld [smem:$0x3FFE];
	[sflag:s23] =	ssyncadd.s32 $0xFFFFFFFF  }
0xa5: {  	s26 =	simm.s32 $execute0_lowered;
	[smem:$0x3FD2] =	sst s25  }
0xa6: {  	s5 =	sshll.u32 s26, $0x1;
	_ =	strace $0x80000046;
	[dreg:$0x1] =	wrdreg $0xFFFFFFFF  }
0xa7: {  	s28 =	simm.s32 $_size_execute0_lowered;
	s3 =	sadd.s32 s3, s5;
	[dreg:$0x0] =	wrdreg $0x0  }
0xa8: {  	s5 =	sshll.u32 s28, $0x1;
	[dreg:$0x2] =	wrdreg s3  }
0xa9: {  	[dreg:$0x3] =	wrdreg s5  }
0xaa: {  	[dreg:$0x4] =	wrdreg $0xC0  }
0xab: {  	_ =	task [dreg:s7], $0x5FFFF  }
0xac: {  	[dreg:$0x1] =	wrdreg $0xFFFFFFFF  }
0xad: {  	[dreg:$0x0] =	wrdreg $0x60  }
0xae: {  	[dreg:$0x2] =	wrdreg s24  }
0xaf: {  	[dreg:$0x3] =	wrdreg s2  }
0xb0: {  	[dreg:$0x4] =	wrdreg $0x53800  }
0xb1: {  	[dreg:$0x5] =	wrdreg $0x56000  }
0xb2: {  	[dreg:$0x6] =	wrdreg $0x9  }
0xb3: {  	_ =	task.clear_ibuf [dreg:s7], $0x7FFFF;
	_ =	strace $0x90000046  }
0xb4: {  	s29 =	simm.s32 $0x9;
	_ =	strace $0x80000048  }
0xb5: {  	_ =	swait.ge [sflag:s29], $0x1  }
0xb6: {  	[sflag:s29] =	ssyncadd.s32 $0xFFFFFFFF  }
0xb7: {  	_ =	strace $0x90000048  }
0xb8: {  	_ =	sfence  }
0xb9: {  	s30 =	sld [smem:$0x0];
	_ =	sdelay $0x2  }
0xba: {  	s31 =	sshll.u32 s1, $0xD;
	s1 =	sshrl.u32 s1, $0x2  }
0xbb: {  	s3 =	sand.u32 $0x4000, s31;
	s1 =	sadd.s32 s1, s30  }
0xbc: {  	s0 =	sor.u32 s3, s0;
	s1 =	sshll.u32 s1, $0x11  }
0xbd: {  	s0 =	sor.u32 s1, s0  }
0xbe: {  	s0 =	sadd.s32 $0x8F2B, s0  }
0xbf: {  	[sflag:s0] =	ssyncadd.remote.s32 $0x1  }
0xc0: {  	_ =	sfence.sel $0xFFFF  }
0xc1: {  	[dreg:$0x0] =	wrdreg $0xFFFFFFFF;
	(pc) =	sbr.abs _section_cstart, $3  }
0xc2: {  	[dreg:$0x1] =	wrdreg $0xFFFFFFFF  }
0xc3: {  	_ =	task.clear_ibuf [dreg:s7], $0x2FFFF;
	_ =	strace $0x9FFFFFFF  }
0xc4: {  	(tm) =	ssettm $0x7FFFFFFF  }
0xc5: {  	_ =	shalt  }
tec
execute0_lowered:
.L_overlay_start_1:
0x0: {  	(tag) =	ssettag $0x1  }
0x1: {  	s6 =	rddreg [dreg:$0x0]  }
0x2: {  	s1 =	rddreg [dreg:$0x1]  }
0x3: {  	s2 =	rddreg [dreg:$0x2]  }
0x4: {  	s4 =	rddreg [dreg:$0x3]  }
0x5: {  	s0 =	rddreg [dreg:$0x4]  }
0x6: {  	s5 =	simm.s32 $0x0;
	s7 =	srdreg.scid;
	s3 =	stileid.u32  }
0x7: {  	[smem:$0x7FF] =	sst s5;
	s7 =	sand.u32 $0x1, s7;
	s8 =	smul.u32 $0x280, s3  }
0x8: {  	s9 =	sadd.s32 $0x400, s6;
	s15 =	smul.u32 $0xA00, s3;
	s13 =	sadd.s32 $0x28400, s6  }
0x9: {  	_ =	strace $0x80000047;
	s10 =	smul.u32 $0x14000, s7;
	s11 =	ssub.s32 $0x2, s7  }
0xa: {  	s12 =	sshllo.u32 s7, $0x1;
	s16 =	smul.u32 $0xA00, s7;
	s30 =	sshrl.u32 s11, $0x1  }
0xb: {  	s14 =	smul.u32 $0xA000, s12;
	s6 =	sadd.s32 s8, s2;
	s7 =	sadd.s32 s8, s4  }
0xc: {  	s31 =	smul.u32 $0x500, s12;
	s19 =	sshrl.u32 s8, $0x3;
	s11 =	ssub.s32 s11, s30  }
0xd: {  	s17 =	sadd.s32 s9, s10;
	s16 =	sadd.s32 s13, s16;
	s10 =	simm.s32 $0x2  }
0xe: {  	s18 =	sadd.s32 s9, s14;
	s20 =	sadd.s32 s13, s31;
	s8 =	smax.u32 s11, $0x1  }
0xf: {  	s9 =	simm.s32 $0x5000;
	s11 =	simm.s32 $0x5100;
	s12 =	sadd.s32 s15, s17  }
0x10: {  	s13 =	simm.s32 $0x100;
	s14 =	simm.s32 $0x1;
	s16 =	sadd.s32 s19, s16  }
0x11: {  	v0 =	vimm.f32 $0.0e+00;
	s15 =	sadd.s32 s15, s18;
	s17 =	sadd.s32 s19, s20;
	s18 =	simm.s32 $0x0  }
.LBB2_1:
0x12: {  	[tilespmem:s9], [sflag:$0x2] =	stream.linear.gather [hbm4b:s1+s5], $0x100, $0x38;
	[tilespmem:$0x5880] =	vst v63  }
0x13: {  	_ =	swait.ge [sflag:s10], $0x100  }
0x14: {  	[sflag:s10] =	ssyncset.done $0x0  }
0x15: {  	[sflag:s10] =	ssyncadd.s32 $0xFFFFFF00  }
0x16: {  	[tilespmem:$0x5100] =	vst v0  }
0x17: {  	[tilespmem:$0x5110] =	vst v0  }
0x18: {  	[tilespmem:$0x5120] =	vst v0  }
0x19: {  	[tilespmem:$0x5130] =	vst v0  }
0x1a: {  	[tilespmem:$0x5140] =	vst v0  }
0x1b: {  	[tilespmem:$0x5150] =	vst v0  }
0x1c: {  	[tilespmem:$0x5160] =	vst v0  }
0x1d: {  	[tilespmem:$0x5170] =	vst v0  }
0x1e: {  	[tilespmem:$0x5180] =	vst v0  }
0x1f: {  	[tilespmem:$0x5190] =	vst v0  }
0x20: {  	[tilespmem:$0x51A0] =	vst v0  }
0x21: {  	[tilespmem:$0x51B0] =	vst v0  }
0x22: {  	[tilespmem:$0x51C0] =	vst v0  }
0x23: {  	[tilespmem:$0x51D0] =	vst v0  }
0x24: {  	[tilespmem:$0x51E0] =	vst v0  }
0x25: {  	[tilespmem:$0x51F0] =	vst v0  }
0x26: {  	[tilespmem:$0x5200] =	vst v0  }
0x27: {  	[tilespmem:$0x5210] =	vst v0  }
0x28: {  	[tilespmem:$0x5220] =	vst v0  }
0x29: {  	[tilespmem:$0x5230] =	vst v0  }
0x2a: {  	[tilespmem:$0x5240] =	vst v0  }
0x2b: {  	[tilespmem:$0x5250] =	vst v0  }
0x2c: {  	[tilespmem:$0x5260] =	vst v0  }
0x2d: {  	[tilespmem:$0x5270] =	vst v0  }
0x2e: {  	[tilespmem:$0x5280] =	vst v0  }
0x2f: {  	[tilespmem:$0x5290] =	vst v0  }
0x30: {  	[tilespmem:$0x52A0] =	vst v0  }
0x31: {  	[tilespmem:$0x52B0] =	vst v0  }
0x32: {  	[tilespmem:$0x52C0] =	vst v0  }
0x33: {  	[tilespmem:$0x52D0] =	vst v0  }
0x34: {  	[tilespmem:$0x52E0] =	vst v0  }
0x35: {  	[tilespmem:$0x52F0] =	vst v0  }
0x36: {  	[tilespmem:$0x5300] =	vst v0  }
0x37: {  	[tilespmem:$0x5310] =	vst v0  }
0x38: {  	[tilespmem:$0x5320] =	vst v0  }
0x39: {  	[tilespmem:$0x5330] =	vst v0  }
0x3a: {  	[tilespmem:$0x5340] =	vst v0  }
0x3b: {  	[tilespmem:$0x5350] =	vst v0  }
0x3c: {  	[tilespmem:$0x5360] =	vst v0  }
0x3d: {  	[tilespmem:$0x5370] =	vst v0  }
0x3e: {  	[spmem:s6] =	stream.linear.scatter [tilespmem:s11], [sflag:$0x2], $0x280, $0x38;
	[tilespmem:$0x5880] =	vst v63  }
0x3f: {  	_ =	swait.ge [sflag:s10], $0x280  }
0x40: {  	[sflag:s10] =	ssyncset.done $0x0  }
0x41: {  	[sflag:s10] =	ssyncadd.s32 $0xFFFFFD80  }
0x42: {  	[spmem:s7] =	stream.linear.scatter [tilespmem:s11], [sflag:$0x2], $0x280, $0x38;
	[tilespmem:$0x5880] =	vst v63  }
0x43: {  	_ =	swait.ge [sflag:s10], $0x280  }
0x44: {  	[sflag:s10] =	ssyncset.done $0x0  }
0x45: {  	[sflag:s10] =	ssyncadd.s32 $0xFFFFFD80  }
0x46: {  	[bflag:$0x0] =	sbarrier.arrive $0xFFFF  }
0x47: {  	[tilespmem:s5], [sflag:$0x2] =	stream.linear.gather [hbm4b:s12+s5], $0x5000, $0x38;
	[tilespmem:$0x5880] =	vst v63  }
0x48: {  	_ =	swait.ge [sflag:s10], $0x5000  }
0x49: {  	[sflag:s10] =	ssyncset.done $0x0  }
0x4a: {  	s19 =	simm.s32 $0x0;
	[sflag:s10] =	ssyncadd.s32 $0xFFFFB000  }
0x4b: {  	[spmem:s2] =	stream.indirect.scatter.add.f32 [tilespmem:s9], [sflag:$0x1], $0x1, s19, s13, $0xb8;
	[tilespmem:$0x5880] =	vst v63  }
0x4c: {  	s24 =	simm.s32 $0x100  }
0x4d: {  	[spmem:s2] =	stream.indirect.scatter.add.f32 [tilespmem:s9], [sflag:$0x1], $0x1, s24, s13, $0xb8;
	[tilespmem:$0x5880] =	vst v63  }
0x4e: {  	s25 =	simm.s32 $0x200  }
0x4f: {  	[spmem:s2] =	stream.indirect.scatter.add.f32 [tilespmem:s9], [sflag:$0x1], $0x1, s25, s13, $0xb8;
	[tilespmem:$0x5880] =	vst v63  }
0x50: {  	s26 =	simm.s32 $0x300  }
0x51: {  	[spmem:s2] =	stream.indirect.scatter.add.f32 [tilespmem:s9], [sflag:$0x1], $0x1, s26, s13, $0xb8;
	[tilespmem:$0x5880] =	vst v63  }
0x52: {  	s28 =	simm.s32 $0x400  }
0x53: {  	[spmem:s2] =	stream.indirect.scatter.add.f32 [tilespmem:s9], [sflag:$0x1], $0x1, s28, s13, $0xb8;
	[tilespmem:$0x5880] =	vst v63  }
0x54: {  	s29 =	simm.s32 $0x500  }
0x55: {  	[spmem:s2] =	stream.indirect.scatter.add.f32 [tilespmem:s9], [sflag:$0x1], $0x1, s29, s13, $0xb8;
	[tilespmem:$0x5880] =	vst v63  }
0x56: {  	s30 =	simm.s32 $0x600  }
0x57: {  	[spmem:s2] =	stream.indirect.scatter.add.f32 [tilespmem:s9], [sflag:$0x1], $0x1, s30, s13, $0xb8;
	[tilespmem:$0x5880] =	vst v63  }
0x58: {  	s31 =	simm.s32 $0x700  }
0x59: {  	[spmem:s2] =	stream.indirect.scatter.add.f32 [tilespmem:s9], [sflag:$0x1], $0x1, s31, s13, $0xb8;
	[tilespmem:$0x5880] =	vst v63  }
0x5a: {  	_ =	swait.ge [sflag:s14], $0x100  }
0x5b: {  	[sflag:s14] =	ssyncset.done $0x0  }
0x5c: {  	[sflag:s14] =	ssyncadd.s32 $0xFFFFFF00  }
0x5d: {  	_ =	swait.ge [sflag:s14], $0x100  }
0x5e: {  	[sflag:s14] =	ssyncset.done $0x0  }
0x5f: {  	[sflag:s14] =	ssyncadd.s32 $0xFFFFFF00  }
0x60: {  	_ =	swait.ge [sflag:s14], $0x100  }
0x61: {  	[sflag:s14] =	ssyncset.done $0x0  }
0x62: {  	[sflag:s14] =	ssyncadd.s32 $0xFFFFFF00  }
0x63: {  	_ =	swait.ge [sflag:s14], $0x100  }
0x64: {  	[sflag:s14] =	ssyncset.done $0x0  }
0x65: {  	[sflag:s14] =	ssyncadd.s32 $0xFFFFFF00  }
0x66: {  	_ =	swait.ge [sflag:s14], $0x100  }
0x67: {  	[sflag:s14] =	ssyncset.done $0x0  }
0x68: {  	[sflag:s14] =	ssyncadd.s32 $0xFFFFFF00  }
0x69: {  	_ =	swait.ge [sflag:s14], $0x100  }
0x6a: {  	[sflag:s14] =	ssyncset.done $0x0  }
0x6b: {  	[sflag:s14] =	ssyncadd.s32 $0xFFFFFF00  }
0x6c: {  	_ =	swait.ge [sflag:s14], $0x100  }
0x6d: {  	[sflag:s14] =	ssyncset.done $0x0  }
0x6e: {  	[sflag:s14] =	ssyncadd.s32 $0xFFFFFF00  }
0x6f: {  	_ =	swait.ge [sflag:s14], $0x100  }
0x70: {  	s21 =	simm.s32 $0x4000;
	s19 =	simm.s32 $0x2000;
	[sflag:s14] =	ssyncset.done $0x0  }
.LBB2_2:
0x71: {  	s22 =	sshra.s32 s19, $0x2  }
0x72: {  	[sflag:s14] =	ssyncadd.s32 $0xFFFFFF00;
	s19 =	smov.u32 s21;
	s20 =	sadd.s32 $0x2000, s21  }
0x73: {  	[spmem:s2] =	stream.indirect.scatter.add.f32 [tilespmem:s9], [sflag:$0x1], $0x1, s22, s13, $0xb8;
	[tilespmem:$0x5880] =	vst v63  }
0x74: {  	p0 =	sne.s32 s21, $0x12000;
	s21 =	sadd.s32 $0x100, s22  }
0x75: {  	[spmem:s2] =	stream.indirect.scatter.add.f32 [tilespmem:s9], [sflag:$0x1], $0x1, s21, s13, $0xb8;
	[tilespmem:$0x5880] =	vst v63  }
0x76: {  	s21 =	sadd.s32 $0x200, s22  }
0x77: {  	[spmem:s2] =	stream.indirect.scatter.add.f32 [tilespmem:s9], [sflag:$0x1], $0x1, s21, s13, $0xb8;
	[tilespmem:$0x5880] =	vst v63  }
0x78: {  	s21 =	sadd.s32 $0x300, s22  }
0x79: {  	[spmem:s2] =	stream.indirect.scatter.add.f32 [tilespmem:s9], [sflag:$0x1], $0x1, s21, s13, $0xb8;
	[tilespmem:$0x5880] =	vst v63  }
0x7a: {  	s21 =	sadd.s32 $0x400, s22  }
0x7b: {  	[spmem:s2] =	stream.indirect.scatter.add.f32 [tilespmem:s9], [sflag:$0x1], $0x1, s21, s13, $0xb8;
	[tilespmem:$0x5880] =	vst v63  }
0x7c: {  	s21 =	sadd.s32 $0x500, s22  }
0x7d: {  	[spmem:s2] =	stream.indirect.scatter.add.f32 [tilespmem:s9], [sflag:$0x1], $0x1, s21, s13, $0xb8;
	[tilespmem:$0x5880] =	vst v63  }
0x7e: {  	s21 =	sadd.s32 $0x600, s22  }
0x7f: {  	[spmem:s2] =	stream.indirect.scatter.add.f32 [tilespmem:s9], [sflag:$0x1], $0x1, s21, s13, $0xb8;
	[tilespmem:$0x5880] =	vst v63  }
0x80: {  	s21 =	sadd.s32 $0x700, s22  }
0x81: {  	[spmem:s2] =	stream.indirect.scatter.add.f32 [tilespmem:s9], [sflag:$0x1], $0x1, s21, s13, $0xb8;
	[tilespmem:$0x5880] =	vst v63  }
0x82: {  	_ =	swait.ge [sflag:s14], $0x100  }
0x83: {  	[sflag:s14] =	ssyncset.done $0x0  }
0x84: {  	[sflag:s14] =	ssyncadd.s32 $0xFFFFFF00  }
0x85: {  	_ =	swait.ge [sflag:s14], $0x100  }
0x86: {  	[sflag:s14] =	ssyncset.done $0x0  }
0x87: {  	[sflag:s14] =	ssyncadd.s32 $0xFFFFFF00  }
0x88: {  	_ =	swait.ge [sflag:s14], $0x100  }
0x89: {  	[sflag:s14] =	ssyncset.done $0x0  }
0x8a: {  	[sflag:s14] =	ssyncadd.s32 $0xFFFFFF00  }
0x8b: {  	_ =	swait.ge [sflag:s14], $0x100  }
0x8c: {  	[sflag:s14] =	ssyncset.done $0x0  }
0x8d: {  	[sflag:s14] =	ssyncadd.s32 $0xFFFFFF00  }
0x8e: {  	_ =	swait.ge [sflag:s14], $0x100  }
0x8f: {  	[sflag:s14] =	ssyncset.done $0x0  }
0x90: {  	[sflag:s14] =	ssyncadd.s32 $0xFFFFFF00  }
0x91: {  	_ =	swait.ge [sflag:s14], $0x100  }
0x92: {  	[sflag:s14] =	ssyncset.done $0x0  }
0x93: {  	[sflag:s14] =	ssyncadd.s32 $0xFFFFFF00  }
.Ltmp0:
0x94: {  	_ =	swait.ge [sflag:s14], $0x100;
	(pc) =	sbr.rel @p0 .LBB2_2-.Ltmp0, $4  }
0x95: {  	[sflag:s14] =	ssyncset.done $0x0  }
0x96: {  	[sflag:s14] =	ssyncadd.s32 $0xFFFFFF00  }
0x97: {  	_ =	swait.ge [sflag:s14], $0x100  }
0x98: {  	s21 =	smov.u32 s20;
	[sflag:s14] =	ssyncset.done $0x0  }
0x99: {  	s19 =	sshra.s32 s19, $0x2;
	[sflag:s14] =	ssyncadd.s32 $0xFFFFFF00  }
0x9a: {  	[spmem:s2] =	stream.indirect.scatter.add.f32 [tilespmem:s9], [sflag:$0x1], $0x1, s19, s13, $0xb8;
	[tilespmem:$0x5880] =	vst v63  }
0x9b: {  	s20 =	sadd.s32 $0x100, s19  }
0x9c: {  	[spmem:s2] =	stream.indirect.scatter.add.f32 [tilespmem:s9], [sflag:$0x1], $0x1, s20, s13, $0xb8;
	[tilespmem:$0x5880] =	vst v63  }
0x9d: {  	s28 =	sadd.s32 $0x200, s19  }
0x9e: {  	[spmem:s2] =	stream.indirect.scatter.add.f32 [tilespmem:s9], [sflag:$0x1], $0x1, s28, s13, $0xb8;
	[tilespmem:$0x5880] =	vst v63  }
0x9f: {  	s29 =	sadd.s32 $0x300, s19  }
0xa0: {  	[spmem:s2] =	stream.indirect.scatter.add.f32 [tilespmem:s9], [sflag:$0x1], $0x1, s29, s13, $0xb8;
	[tilespmem:$0x5880] =	vst v63  }
0xa1: {  	s30 =	sadd.s32 $0x400, s19  }
0xa2: {  	[spmem:s2] =	stream.indirect.scatter.add.f32 [tilespmem:s9], [sflag:$0x1], $0x1, s30, s13, $0xb8;
	[tilespmem:$0x5880] =	vst v63  }
0xa3: {  	s31 =	sadd.s32 $0x500, s19  }
0xa4: {  	[spmem:s2] =	stream.indirect.scatter.add.f32 [tilespmem:s9], [sflag:$0x1], $0x1, s31, s13, $0xb8;
	[tilespmem:$0x5880] =	vst v63  }
0xa5: {  	s21 =	sadd.s32 $0x600, s19  }
0xa6: {  	[spmem:s2] =	stream.indirect.scatter.add.f32 [tilespmem:s9], [sflag:$0x1], $0x1, s21, s13, $0xb8;
	[tilespmem:$0x5880] =	vst v63  }
0xa7: {  	s19 =	sadd.s32 $0x700, s19  }
0xa8: {  	[spmem:s2] =	stream.indirect.scatter.add.f32 [tilespmem:s9], [sflag:$0x1], $0x1, s19, s13, $0xb8;
	[tilespmem:$0x5880] =	vst v63  }
0xa9: {  	_ =	swait.ge [sflag:s14], $0x100  }
0xaa: {  	[sflag:s14] =	ssyncset.done $0x0  }
0xab: {  	[sflag:s14] =	ssyncadd.s32 $0xFFFFFF00  }
0xac: {  	_ =	swait.ge [sflag:s14], $0x100  }
0xad: {  	[sflag:s14] =	ssyncset.done $0x0  }
0xae: {  	[sflag:s14] =	ssyncadd.s32 $0xFFFFFF00  }
0xaf: {  	_ =	swait.ge [sflag:s14], $0x100  }
0xb0: {  	[sflag:s14] =	ssyncset.done $0x0  }
0xb1: {  	[sflag:s14] =	ssyncadd.s32 $0xFFFFFF00  }
0xb2: {  	_ =	swait.ge [sflag:s14], $0x100  }
0xb3: {  	[sflag:s14] =	ssyncset.done $0x0  }
0xb4: {  	[sflag:s14] =	ssyncadd.s32 $0xFFFFFF00  }
0xb5: {  	_ =	swait.ge [sflag:s14], $0x100  }
0xb6: {  	[sflag:s14] =	ssyncset.done $0x0  }
0xb7: {  	[sflag:s14] =	ssyncadd.s32 $0xFFFFFF00  }
0xb8: {  	_ =	swait.ge [sflag:s14], $0x100  }
0xb9: {  	[sflag:s14] =	ssyncset.done $0x0  }
0xba: {  	[sflag:s14] =	ssyncadd.s32 $0xFFFFFF00  }
0xbb: {  	_ =	swait.ge [sflag:s14], $0x100  }
0xbc: {  	[sflag:s14] =	ssyncset.done $0x0  }
0xbd: {  	[sflag:s14] =	ssyncadd.s32 $0xFFFFFF00  }
0xbe: {  	_ =	swait.ge [sflag:s14], $0x100  }
0xbf: {  	[sflag:s14] =	ssyncset.done $0x0  }
0xc0: {  	s22 =	simm.s32 $0x0;
	[sflag:s14] =	ssyncadd.s32 $0xFFFFFF00  }
0xc1: {  	[tilespmem:s22], [sflag:$0x2] =	stream.linear.gather [hbm4b:s15+s22], $0x5000, $0x38;
	[tilespmem:$0x5880] =	vst v63  }
0xc2: {  	_ =	swait.ge [sflag:s10], $0x5000  }
0xc3: {  	[sflag:s10] =	ssyncset.done $0x0  }
0xc4: {  	s23 =	simm.s32 $0x0;
	[sflag:s10] =	ssyncadd.s32 $0xFFFFB000  }
0xc5: {  	[spmem:s4] =	stream.indirect.scatter.add.f32 [tilespmem:s9], [sflag:$0x1], $0x1, s23, s13, $0xb8;
	[tilespmem:$0x5880] =	vst v63  }
0xc6: {  	s24 =	simm.s32 $0x100  }
0xc7: {  	[spmem:s4] =	stream.indirect.scatter.add.f32 [tilespmem:s9], [sflag:$0x1], $0x1, s24, s13, $0xb8;
	[tilespmem:$0x5880] =	vst v63  }
0xc8: {  	s25 =	simm.s32 $0x200  }
0xc9: {  	[spmem:s4] =	stream.indirect.scatter.add.f32 [tilespmem:s9], [sflag:$0x1], $0x1, s25, s13, $0xb8;
	[tilespmem:$0x5880] =	vst v63  }
0xca: {  	s26 =	simm.s32 $0x300  }
0xcb: {  	[spmem:s4] =	stream.indirect.scatter.add.f32 [tilespmem:s9], [sflag:$0x1], $0x1, s26, s13, $0xb8;
	[tilespmem:$0x5880] =	vst v63  }
0xcc: {  	s28 =	simm.s32 $0x400  }
0xcd: {  	[spmem:s4] =	stream.indirect.scatter.add.f32 [tilespmem:s9], [sflag:$0x1], $0x1, s28, s13, $0xb8;
	[tilespmem:$0x5880] =	vst v63  }
0xce: {  	s29 =	simm.s32 $0x500  }
0xcf: {  	[spmem:s4] =	stream.indirect.scatter.add.f32 [tilespmem:s9], [sflag:$0x1], $0x1, s29, s13, $0xb8;
	[tilespmem:$0x5880] =	vst v63  }
0xd0: {  	s30 =	simm.s32 $0x600  }
0xd1: {  	[spmem:s4] =	stream.indirect.scatter.add.f32 [tilespmem:s9], [sflag:$0x1], $0x1, s30, s13, $0xb8;
	[tilespmem:$0x5880] =	vst v63  }
0xd2: {  	s31 =	simm.s32 $0x700  }
0xd3: {  	[spmem:s4] =	stream.indirect.scatter.add.f32 [tilespmem:s9], [sflag:$0x1], $0x1, s31, s13, $0xb8;
	[tilespmem:$0x5880] =	vst v63  }
0xd4: {  	_ =	swait.ge [sflag:s14], $0x100  }
0xd5: {  	[sflag:s14] =	ssyncset.done $0x0  }
0xd6: {  	[sflag:s14] =	ssyncadd.s32 $0xFFFFFF00  }
0xd7: {  	_ =	swait.ge [sflag:s14], $0x100  }
0xd8: {  	[sflag:s14] =	ssyncset.done $0x0  }
0xd9: {  	[sflag:s14] =	ssyncadd.s32 $0xFFFFFF00  }
0xda: {  	_ =	swait.ge [sflag:s14], $0x100  }
0xdb: {  	[sflag:s14] =	ssyncset.done $0x0  }
0xdc: {  	[sflag:s14] =	ssyncadd.s32 $0xFFFFFF00  }
0xdd: {  	_ =	swait.ge [sflag:s14], $0x100  }
0xde: {  	[sflag:s14] =	ssyncset.done $0x0  }
0xdf: {  	[sflag:s14] =	ssyncadd.s32 $0xFFFFFF00  }
0xe0: {  	_ =	swait.ge [sflag:s14], $0x100  }
0xe1: {  	[sflag:s14] =	ssyncset.done $0x0  }
0xe2: {  	[sflag:s14] =	ssyncadd.s32 $0xFFFFFF00  }
0xe3: {  	_ =	swait.ge [sflag:s14], $0x100  }
0xe4: {  	[sflag:s14] =	ssyncset.done $0x0  }
0xe5: {  	[sflag:s14] =	ssyncadd.s32 $0xFFFFFF00  }
0xe6: {  	_ =	swait.ge [sflag:s14], $0x100  }
0xe7: {  	[sflag:s14] =	ssyncset.done $0x0  }
0xe8: {  	[sflag:s14] =	ssyncadd.s32 $0xFFFFFF00  }
0xe9: {  	_ =	swait.ge [sflag:s14], $0x100  }
0xea: {  	s21 =	simm.s32 $0x4000;
	s19 =	simm.s32 $0x2000;
	[sflag:s14] =	ssyncset.done $0x0  }
.LBB2_4:
0xeb: {  	s22 =	sshra.s32 s19, $0x2  }
0xec: {  	[sflag:s14] =	ssyncadd.s32 $0xFFFFFF00;
	s19 =	smov.u32 s21;
	s20 =	sadd.s32 $0x2000, s21  }
0xed: {  	[spmem:s4] =	stream.indirect.scatter.add.f32 [tilespmem:s9], [sflag:$0x1], $0x1, s22, s13, $0xb8;
	[tilespmem:$0x5880] =	vst v63  }
0xee: {  	p0 =	sne.s32 s21, $0x12000;
	s21 =	sadd.s32 $0x100, s22  }
0xef: {  	[spmem:s4] =	stream.indirect.scatter.add.f32 [tilespmem:s9], [sflag:$0x1], $0x1, s21, s13, $0xb8;
	[tilespmem:$0x5880] =	vst v63  }
0xf0: {  	s21 =	sadd.s32 $0x200, s22  }
0xf1: {  	[spmem:s4] =	stream.indirect.scatter.add.f32 [tilespmem:s9], [sflag:$0x1], $0x1, s21, s13, $0xb8;
	[tilespmem:$0x5880] =	vst v63  }
0xf2: {  	s21 =	sadd.s32 $0x300, s22  }
0xf3: {  	[spmem:s4] =	stream.indirect.scatter.add.f32 [tilespmem:s9], [sflag:$0x1], $0x1, s21, s13, $0xb8;
	[tilespmem:$0x5880] =	vst v63  }
0xf4: {  	s21 =	sadd.s32 $0x400, s22  }
0xf5: {  	[spmem:s4] =	stream.indirect.scatter.add.f32 [tilespmem:s9], [sflag:$0x1], $0x1, s21, s13, $0xb8;
	[tilespmem:$0x5880] =	vst v63  }
0xf6: {  	s21 =	sadd.s32 $0x500, s22  }
0xf7: {  	[spmem:s4] =	stream.indirect.scatter.add.f32 [tilespmem:s9], [sflag:$0x1], $0x1, s21, s13, $0xb8;
	[tilespmem:$0x5880] =	vst v63  }
0xf8: {  	s21 =	sadd.s32 $0x600, s22  }
0xf9: {  	[spmem:s4] =	stream.indirect.scatter.add.f32 [tilespmem:s9], [sflag:$0x1], $0x1, s21, s13, $0xb8;
	[tilespmem:$0x5880] =	vst v63  }
0xfa: {  	s21 =	sadd.s32 $0x700, s22  }
0xfb: {  	[spmem:s4] =	stream.indirect.scatter.add.f32 [tilespmem:s9], [sflag:$0x1], $0x1, s21, s13, $0xb8;
	[tilespmem:$0x5880] =	vst v63  }
0xfc: {  	_ =	swait.ge [sflag:s14], $0x100  }
0xfd: {  	[sflag:s14] =	ssyncset.done $0x0  }
0xfe: {  	[sflag:s14] =	ssyncadd.s32 $0xFFFFFF00  }
0xff: {  	_ =	swait.ge [sflag:s14], $0x100  }
0x100: {  	[sflag:s14] =	ssyncset.done $0x0  }
0x101: {  	[sflag:s14] =	ssyncadd.s32 $0xFFFFFF00  }
0x102: {  	_ =	swait.ge [sflag:s14], $0x100  }
0x103: {  	[sflag:s14] =	ssyncset.done $0x0  }
0x104: {  	[sflag:s14] =	ssyncadd.s32 $0xFFFFFF00  }
0x105: {  	_ =	swait.ge [sflag:s14], $0x100  }
0x106: {  	[sflag:s14] =	ssyncset.done $0x0  }
0x107: {  	[sflag:s14] =	ssyncadd.s32 $0xFFFFFF00  }
0x108: {  	_ =	swait.ge [sflag:s14], $0x100  }
0x109: {  	[sflag:s14] =	ssyncset.done $0x0  }
0x10a: {  	[sflag:s14] =	ssyncadd.s32 $0xFFFFFF00  }
0x10b: {  	_ =	swait.ge [sflag:s14], $0x100  }
0x10c: {  	[sflag:s14] =	ssyncset.done $0x0  }
0x10d: {  	[sflag:s14] =	ssyncadd.s32 $0xFFFFFF00  }
.Ltmp1:
0x10e: {  	_ =	swait.ge [sflag:s14], $0x100;
	(pc) =	sbr.rel @p0 .LBB2_4-.Ltmp1, $4  }
0x10f: {  	[sflag:s14] =	ssyncset.done $0x0  }
0x110: {  	[sflag:s14] =	ssyncadd.s32 $0xFFFFFF00  }
0x111: {  	_ =	swait.ge [sflag:s14], $0x100  }
0x112: {  	s21 =	smov.u32 s20;
	[sflag:s14] =	ssyncset.done $0x0  }
0x113: {  	s19 =	sshra.s32 s19, $0x2;
	[sflag:s14] =	ssyncadd.s32 $0xFFFFFF00  }
0x114: {  	[spmem:s4] =	stream.indirect.scatter.add.f32 [tilespmem:s9], [sflag:$0x1], $0x1, s19, s13, $0xb8;
	[tilespmem:$0x5880] =	vst v63  }
0x115: {  	s20 =	sadd.s32 $0x100, s19  }
0x116: {  	[spmem:s4] =	stream.indirect.scatter.add.f32 [tilespmem:s9], [sflag:$0x1], $0x1, s20, s13, $0xb8;
	[tilespmem:$0x5880] =	vst v63  }
0x117: {  	s23 =	sadd.s32 $0x200, s19  }
0x118: {  	[spmem:s4] =	stream.indirect.scatter.add.f32 [tilespmem:s9], [sflag:$0x1], $0x1, s23, s13, $0xb8;
	[tilespmem:$0x5880] =	vst v63  }
0x119: {  	s24 =	sadd.s32 $0x300, s19  }
0x11a: {  	[spmem:s4] =	stream.indirect.scatter.add.f32 [tilespmem:s9], [sflag:$0x1], $0x1, s24, s13, $0xb8;
	[tilespmem:$0x5880] =	vst v63  }
0x11b: {  	s25 =	sadd.s32 $0x400, s19  }
0x11c: {  	[spmem:s4] =	stream.indirect.scatter.add.f32 [tilespmem:s9], [sflag:$0x1], $0x1, s25, s13, $0xb8;
	[tilespmem:$0x5880] =	vst v63  }
0x11d: {  	s26 =	sadd.s32 $0x500, s19  }
0x11e: {  	[spmem:s4] =	stream.indirect.scatter.add.f32 [tilespmem:s9], [sflag:$0x1], $0x1, s26, s13, $0xb8;
	[tilespmem:$0x5880] =	vst v63  }
0x11f: {  	s28 =	sadd.s32 $0x600, s19  }
0x120: {  	[spmem:s4] =	stream.indirect.scatter.add.f32 [tilespmem:s9], [sflag:$0x1], $0x1, s28, s13, $0xb8;
	[tilespmem:$0x5880] =	vst v63  }
0x121: {  	s19 =	sadd.s32 $0x700, s19  }
0x122: {  	[spmem:s4] =	stream.indirect.scatter.add.f32 [tilespmem:s9], [sflag:$0x1], $0x1, s19, s13, $0xb8;
	[tilespmem:$0x5880] =	vst v63  }
0x123: {  	_ =	swait.ge [sflag:s14], $0x100  }
0x124: {  	[sflag:s14] =	ssyncset.done $0x0  }
0x125: {  	[sflag:s14] =	ssyncadd.s32 $0xFFFFFF00  }
0x126: {  	_ =	swait.ge [sflag:s14], $0x100  }
0x127: {  	[sflag:s14] =	ssyncset.done $0x0  }
0x128: {  	[sflag:s14] =	ssyncadd.s32 $0xFFFFFF00  }
0x129: {  	_ =	swait.ge [sflag:s14], $0x100  }
0x12a: {  	[sflag:s14] =	ssyncset.done $0x0  }
0x12b: {  	[sflag:s14] =	ssyncadd.s32 $0xFFFFFF00  }
0x12c: {  	_ =	swait.ge [sflag:s14], $0x100  }
0x12d: {  	[sflag:s14] =	ssyncset.done $0x0  }
0x12e: {  	[sflag:s14] =	ssyncadd.s32 $0xFFFFFF00  }
0x12f: {  	_ =	swait.ge [sflag:s14], $0x100  }
0x130: {  	[sflag:s14] =	ssyncset.done $0x0  }
0x131: {  	[sflag:s14] =	ssyncadd.s32 $0xFFFFFF00  }
0x132: {  	_ =	swait.ge [sflag:s14], $0x100  }
0x133: {  	[sflag:s14] =	ssyncset.done $0x0  }
0x134: {  	[sflag:s14] =	ssyncadd.s32 $0xFFFFFF00  }
0x135: {  	_ =	swait.ge [sflag:s14], $0x100  }
0x136: {  	[sflag:s14] =	ssyncset.done $0x0  }
0x137: {  	[sflag:s14] =	ssyncadd.s32 $0xFFFFFF00  }
0x138: {  	_ =	swait.ge [sflag:s14], $0x100  }
0x139: {  	[sflag:s14] =	ssyncset.done $0x0  }
0x13a: {  	s29 =	sshll.u32 s3, $0x6;
	[sflag:s14] =	ssyncadd.s32 $0xFFFFFF00  }
0x13b: {  	s30 =	sshrl.u32 s6, $0x3;
	s19 =	sor.u32 $0x1C02, s29;
	[bflag:$0x0] =	sbarrier.arrive $0xFFFF  }
0x13c: {  	[hbm:s16], [sflag:s19] =	dma.local [spmem:s30], $0x50  }
0x13d: {  	s18 =	sadd.s32 $0x1, s18;
	_ =	swait.ge [sflag:s10], $0x50  }
0x13e: {  	p0 =	sne.s32 s18, s8;
	[sflag:s10] =	ssyncset.done $0x0  }
.Ltmp2:
0x13f: {  	s31 =	sshrl.u32 s7, $0x3;
	[sflag:s10] =	ssyncadd.s32 $0xFFFFFFB0;
	(pc) =	sbr.rel @p0 .LBB2_1-.Ltmp2, $4  }
0x140: {  	[hbm:s17], [sflag:s19] =	dma.local [spmem:s31], $0x50  }
0x141: {  	_ =	swait.ge [sflag:s10], $0x50  }
0x142: {  	[sflag:s10] =	ssyncset.done $0x0  }
0x143: {  	[sflag:s10] =	ssyncadd.s32 $0xFFFFFFB0  }
0x144: {  	_ =	sfence.sel $0x180000  }
0x145: {  	[bflag:$0x0] =	sbarrier.arrive $0xFFFF  }
0x146: {  	p0 =	sne.s32 s3, $0x0;
	_ =	strace $0x90000047  }
0x147: {  	s0 =	sadd.s32 @!p0 $0x100000, s0;
	[bflag:$0x2] =	sbarrier.arrive $0xFFFF  }
0x148: {  	[sflag:s0] =	ssyncadd.tile.s32 @!p0 $0x1;
	_ =	shalt  }
.Lfunc_end2:
_tile_overlayer_lowered:
.L_overlay_start_2:
0x149: {  	(tag) =	ssettag $0x2  }
0x14a: {  	s0 =	rddreg [dreg:$0x0];
	s2 =	stileid.u32  }
0x14b: {  	s1 =	rddreg [dreg:$0x1];
	p0 =	sne.s32 s2, $0x0  }
0x14c: {  	s3 =	rddreg [dreg:$0x2];
	[bflag:$0x3] =	sbarrier.arrive $0xFFFF;
	s2 =	simm.s32 @!p0 $0x1C02  }
0x14d: {  	[timem:s3], [sflag:s2] =	dma.local @!p0 [hbm:s0], s1  }
0x14e: {  	s0 =	simm.s32 @!p0 $0x2  }
0x14f: {  	_ =	swait.ge @!p0 [sflag:s0], s1  }
0x150: {  	s1 =	ssub.s32 @!p0 $0x0, s1;
	[sflag:s0] =	ssyncset.done @!p0 $0x0  }
0x151: {  	[sflag:s0] =	ssyncadd.s32 @!p0 s1  }
0x152: {  	[bflag:$0x3] =	sbarrier.arrive $0xFFFF  }
0x153: {  	_ =	shalt  }

</sc_bundles>
